<compile_context>
chip_gen: v7x
topology: tpu7x:2x2x1
jax: 0.10.2.dev20260603
libtpu: 0.0.44.dev20260713+nightly
codegen_flags: <defaults>
</compile_context>

<pallas_src>
import jax
import jax.numpy as jnp
from jax import lax
from jax.experimental import pallas as pl
from jax.experimental.pallas import tpu as pltpu
from jax.experimental.pallas import tpu_sc as plsc

_SEG_SHAPES = [
    (1354,), (1354,), (1354,),
    (1354, 2), (260, 2), (260, 2),
    (1991, 2), (1991, 2), (1991, 2),
]
_SEG_NUMEL = [1354, 1354, 1354, 2708, 520, 520, 3982, 3982, 3982]
_SEG_OFF = [0, 1354, 2708, 4062, 6770, 7290, 7810, 11792, 15774]
_D = 19756
_DM = 19712
_DT = _D - _DM
_DOUT = 19840
_B = 4096
_NW = 32
_BPW = _B // _NW
_W = 128
_NCHUNK = _DOUT // _W
_NBUF = 4
_NLOOP = 38


def _sc_body(idx_hbm, sh_hbm, table_hbm, ttab_hbm, out_hbm,
             idx_v, sh_v, buf, gsem, osem):
    wid = lax.axis_index("s") * 2 + lax.axis_index("c")
    base = wid * _BPW

    pltpu.sync_copy(idx_hbm.at[wid], idx_v)
    pltpu.sync_copy(sh_hbm, sh_v)

    def _gather_args(t, slot):
        if isinstance(t, int) and t == _NCHUNK - 1:
            src = ttab_hbm.at[idx_v]
        else:
            src = table_hbm.at[idx_v, pl.ds(pl.multiple_of(t * _W, _W), _W)]
        return src, buf.at[slot], gsem.at[slot]

    def _write_args(t, slot):
        return (
            buf.at[slot],
            out_hbm.at[pl.ds(base, _BPW), pl.ds(pl.multiple_of(t * _W, _W), _W)],
            osem.at[slot],
        )

    def gather_chunk(t, slot):
        pltpu.async_copy(*_gather_args(t, slot))

    def write_chunk(t, slot):
        pltpu.async_copy(*_write_args(t, slot))

    def process_chunk(t, slot):
        pltpu.make_async_copy(*_gather_args(t, slot)).wait()

        sh = [sh_v[pl.ds(pl.multiple_of(t * _W + 16 * j, 16), 16)]
              for j in range(_W // 16)]

        def row_add(rr, c):
            for j in range(_W // 16):
                buf[slot, rr, pl.ds(16 * j, 16)] = (
                    buf[slot, rr, pl.ds(16 * j, 16)] + sh[j])
            return c

        lax.fori_loop(0, _BPW, row_add, 0)

        write_chunk(t, slot)

    for b in range(_NBUF):
        gather_chunk(b, b)

    def chunk_iter(g, carry):
        for b in range(_NBUF):
            t = g * _NBUF + b
            process_chunk(t, b)
            pb = (b + _NBUF - 1) % _NBUF

            @pl.when(t >= 1)
            def _():
                pltpu.make_async_copy(*_write_args(t - 1, pb)).wait()
                gather_chunk(t + _NBUF - 1, pb)
        return carry

    lax.fori_loop(0, _NLOOP, chunk_iter, 0)

    for t in range(_NLOOP * _NBUF, _NCHUNK):
        process_chunk(t, t % _NBUF)
        pltpu.make_async_copy(*_write_args(t - 1, (t - 1) % _NBUF)).wait()

    pltpu.make_async_copy(
        *_write_args(_NCHUNK - 1, (_NCHUNK - 1) % _NBUF)).wait()


_NA = 4096
_S1 = 1354
_NCH1 = 84
_FLUSH = 4 * _S1


def _sc1_body(idx_hbm, sh_hbm, table_hbm, o0, o1, o2,
              idx_v, sh_v, buf, st0, st1, st2, gsem, fsem):
    sts = (st0, st1, st2)
    wid = lax.axis_index("s") * 2 + lax.axis_index("c")
    base = wid * _BPW
    outs = (o0, o1, o2)

    pltpu.sync_copy(idx_hbm.at[wid], idx_v)
    pltpu.sync_copy(sh_hbm, sh_v)

    def _gather_args(r, slot):
        return (
            table_hbm.at[idx_v.at[r], pl.ds(0, _NA)],
            buf.at[slot],
            gsem.at[slot],
        )

    def _flush_args(g, k, pp):
        return (
            sts[k].at[pl.ds(pp * _FLUSH, _FLUSH)],
            outs[k].at[pl.ds((base + 4 * g) * _S1, _FLUSH)],
            fsem.at[pp],
        )

    for b in range(_NBUF):
        pltpu.async_copy(*_gather_args(b, b))

    def group_iter(g, carry):
        pp = lax.rem(g, 2)

        @pl.when(g >= 2)
        def _():
            for k in range(3):
                pltpu.make_async_copy(*_flush_args(g - 2, k, pp)).wait()

        for rr in range(4):
            r = g * 4 + rr
            slot = rr
            pltpu.make_async_copy(*_gather_args(r, slot)).wait()
            row = buf.at[slot, 0]

            for k in range(3):

                def seg_chunk(j, c, k=k, rr=rr, row=row):
                    off = pl.multiple_of(j * 16, 16)
                    sts[k][pl.ds(pp * _FLUSH + rr * _S1 + off, 16)] = (
                        row[pl.ds(_S1 * k + off, 16)] + sh_v[pl.ds(_S1 * k + off, 16)])
                    return c

                lax.fori_loop(0, _NCH1, seg_chunk, 0)
                sts[k][pl.ds(pp * _FLUSH + rr * _S1 + _S1 - 16, 16)] = (
                    row[pl.ds(_S1 * k + _S1 - 16, 16)]
                    + sh_v[pl.ds(_S1 * k + _S1 - 16, 16)])

            @pl.when(r + _NBUF < _BPW)
            def _():
                pltpu.async_copy(*_gather_args(r + _NBUF, slot))

        for k in range(3):
            pltpu.async_copy(*_flush_args(g, k, pp))
        return carry

    lax.fori_loop(0, _BPW // 4, group_iter, 0)

    for g in (_BPW // 4 - 2, _BPW // 4 - 1):
        for k in range(3):
            pltpu.make_async_copy(*_flush_args(g, k, g % 2)).wait()


@jax.jit
def _sc1_call(idx_b, sh3, table):
    mesh = plsc.VectorSubcoreMesh(core_axis_name="c", subcore_axis_name="s")
    kfn = pl.kernel(
        _sc1_body,
        mesh=mesh,
        out_type=[jax.ShapeDtypeStruct((_B * _S1,), jnp.float32)
                  for _ in range(3)],
        scratch_types=[
            pltpu.VMEM((_BPW, 1), jnp.int32),
            pltpu.VMEM((_NA,), jnp.float32),
            pltpu.VMEM((_NBUF, 1, _NA), jnp.float32),
            pltpu.VMEM((2 * _FLUSH,), jnp.float32),
            pltpu.VMEM((2 * _FLUSH,), jnp.float32),
            pltpu.VMEM((2 * _FLUSH,), jnp.float32),
            pltpu.SemaphoreType.DMA((_NBUF,)),
            pltpu.SemaphoreType.DMA((2,)),
        ],
    )
    return kfn(idx_b, sh3, table)


@jax.jit
def _sc_call(idx_a, sh_p, table, ttab):
    mesh = plsc.VectorSubcoreMesh(core_axis_name="c", subcore_axis_name="s")
    kfn = pl.kernel(
        _sc_body,
        mesh=mesh,
        out_type=jax.ShapeDtypeStruct((_B, _DOUT), jnp.float32),
        scratch_types=[
            pltpu.VMEM((_BPW,), jnp.int32),
            pltpu.VMEM((_DOUT,), jnp.float32),
            pltpu.VMEM((_NBUF, _BPW, _W), jnp.float32),
            pltpu.SemaphoreType.DMA((_NBUF,)),
            pltpu.SemaphoreType.DMA((_NBUF,)),
        ],
    )
    return kfn(idx_a, sh_p, table, ttab)


def kernel(data, multipliers_shared, multipliers_pointwise):
    idx = data.astype(jnp.int32)
    idx_a = idx.reshape(_NW, _BPW)
    idx_b = idx.reshape(_NW, _BPW, 1)
    sh_p = jnp.pad(multipliers_shared, (0, _DOUT - _D))
    sh3 = multipliers_shared[:_NA]
    ttab = jnp.pad(multipliers_pointwise[:, _DM:], ((0, 0), (0, 128 - _DT)))
    flat3 = _sc1_call(idx_b, sh3, multipliers_pointwise)
    full = _sc_call(idx_a, sh_p, multipliers_pointwise, ttab)
    result = list(flat3)
    for off, numel, shape in list(zip(_SEG_OFF, _SEG_NUMEL, _SEG_SHAPES))[3:]:
        part = lax.slice_in_dim(full, off, off + numel, axis=1)
        result.append(part.reshape((_B * shape[0],) + tuple(shape[1:])))
    return tuple(result)

# --- scband reference (transcript-rebuilt; emitter-appended) ---
"""Pipeline reference for scband-dual-table-61314953118143 (READ-ONLY COPY).

The authoritative reference and input builder live on the scoring server;
editing this copy changes nothing except your own understanding.
"""

import jax, jax.numpy as jnp
import numpy as np

N_BUS = 1354
N_GEN = 260
N_BRANCH = 1991
N_TRAIN = 10000
BATCH = 4096
META = [
    ("equality/bus_active_power", (N_BUS,)),
    ("equality/bus_reactive_power", (N_BUS,)),
    ("equality/bus_reference", (N_BUS,)),
    ("inequality/voltage_magnitude", (N_BUS, 2)),
    ("inequality/active_power", (N_GEN, 2)),
    ("inequality/reactive_power", (N_GEN, 2)),
    ("inequality/forward_rate", (N_BRANCH, 2)),
    ("inequality/backward_rate", (N_BRANCH, 2)),
    ("inequality/voltage_angle_difference", (N_BRANCH, 2)),
]
NUMEL = [int(np.prod(s)) for _, s in META]
OFFSETS = np.cumsum(NUMEL)
N_MULT = int(OFFSETS[-1])


def setup_inputs(seed: int = 0):
    key = jax.random.key(seed)
    k1, k2, k3 = jax.random.split(key, 3)
    data = jax.random.randint(k1, (BATCH,), 0, N_TRAIN)
    multipliers_shared = jax.random.normal(k2, (N_MULT,), dtype=jnp.float32) * 0.01
    multipliers_pointwise = jax.random.normal(k3, (N_TRAIN, N_MULT), dtype=jnp.float32) * 0.01
    return {"data": data, "multipliers_shared": multipliers_shared, "multipliers_pointwise": multipliers_pointwise}


def reference(data, multipliers_shared, multipliers_pointwise):
    idx = data
    b = idx.shape[0]
    multipliers = jnp.zeros((b, N_MULT), dtype=multipliers_shared.dtype)
    multipliers = multipliers + multipliers_shared[None, :]
    multipliers = multipliers + jnp.take(multipliers_pointwise, idx, axis=0)
    splits = jnp.split(multipliers, OFFSETS[:-1].tolist(), axis=1)
    outs = []
    for part, (name, shape) in zip(splits, META):
        outs.append(part.reshape((b * shape[0],) + tuple(shape[1:])))
    return tuple(outs)

if __name__ == "__main__":
    import jax
    _d = setup_inputs()
    print(jax.jit(kernel)(*tuple(_d.values())))

</pallas_src>

<mosaic_0001>
#map = affine_map<(d0, d1) -> (0, 0, 0)>
#map1 = affine_map<(d0, d1) -> (0)>
#map2 = affine_map<(d0, d1) -> (0, 0)>
module attributes {stable_mosaic.version = 14 : i64} {
  func.func @_sc1_body(%arg0: i32, %arg1: i32, %arg2: memref<32x128x1xi32, #tpu.memory_space<hbm>>, %arg3: memref<4096xf32, #tpu.memory_space<hbm>>, %arg4: memref<10000x19756xf32, #tpu.memory_space<hbm>>, %arg5: memref<5545984xf32, #tpu.memory_space<hbm>>, %arg6: memref<5545984xf32, #tpu.memory_space<hbm>>, %arg7: memref<5545984xf32, #tpu.memory_space<hbm>>, %arg8: memref<128x1xi32, #tpu.memory_space<vmem>>, %arg9: memref<4096xf32, #tpu.memory_space<vmem>>, %arg10: memref<4x1x4096xf32, #tpu.memory_space<vmem>>, %arg11: memref<10832xf32, #tpu.memory_space<vmem>>, %arg12: memref<10832xf32, #tpu.memory_space<vmem>>, %arg13: memref<10832xf32, #tpu.memory_space<vmem>>, %arg14: memref<4x!tpu.dma_semaphore, #tpu.memory_space<semaphore_mem>>, %arg15: memref<2x!tpu.dma_semaphore, #tpu.memory_space<semaphore_mem>>) attributes {dimension_semantics = [#tpu.dimension_semantics<core_parallel>, #tpu.dimension_semantics<subcore_parallel>], iteration_bounds = array<i64: 2, 16>, scalar_prefetch = 0 : i64, scratch_operands = 8 : i64, tpu.core_type = #tpu.core_type<sc_vector_subcore>, window_params = [{transform_indices = #map}, {transform_indices = #map1}, {transform_indices = #map2}, {transform_indices = #map1}, {transform_indices = #map1}, {transform_indices = #map1}]} {
    %mul3A = arith.constant 2 : i32
    %mul3A_0 = arith.muli %arg1, %mul3A : i32
    %add3A = arith.addi %mul3A_0, %arg0 : i32
    %mul3A_1 = arith.constant 128 : i32
    %mul3A_2 = arith.muli %add3A, %mul3A_1 : i32
    "tpu.region"() ({
      %run_scoped3A = tpu.sem_alloc : memref<!tpu.dma_semaphore, #tpu.memory_space<semaphore_mem>>
      %dma_start3A_144 = arith.constant 0 : i32
      %dma_start3A_145 = arith.constant 0 : i32
      %dma_start3A_146 = tpu.memref_slice %arg2[%add3A, %dma_start3A_144, %dma_start3A_145] : memref<32x128x1xi32, #tpu.memory_space<hbm>> -> memref<1x128x1xi32, #tpu.memory_space<hbm>>
      %dma_start3A_147 = tpu.memref_squeeze %dma_start3A_146 : memref<1x128x1xi32, #tpu.memory_space<hbm>> -> memref<128x1xi32, #tpu.memory_space<hbm>>
      %dma_start3A_148 = arith.constant 0 : i32
      %dma_start3A_149 = arith.constant 0 : i32
      %dma_start3A_150 = tpu.memref_slice %arg2[%add3A, %dma_start3A_148, %dma_start3A_149] : memref<32x128x1xi32, #tpu.memory_space<hbm>> -> memref<1x128x1xi32, #tpu.memory_space<hbm>>
      %dma_start3A_151 = tpu.memref_squeeze %dma_start3A_150 : memref<1x128x1xi32, #tpu.memory_space<hbm>> -> memref<128x1xi32, #tpu.memory_space<hbm>>
      tpu.enqueue_dma source(%dma_start3A_151 : memref<128x1xi32, #tpu.memory_space<hbm>>) target(%arg8 : memref<128x1xi32, #tpu.memory_space<vmem>>) target_semaphore(%run_scoped3A : memref<!tpu.dma_semaphore, #tpu.memory_space<semaphore_mem>>)
      %dma_wait3A_152 = arith.constant 0 : i32
      %dma_wait3A_153 = arith.constant 0 : i32
      %dma_wait3A_154 = tpu.memref_slice %arg2[%add3A, %dma_wait3A_152, %dma_wait3A_153] : memref<32x128x1xi32, #tpu.memory_space<hbm>> -> memref<1x128x1xi32, #tpu.memory_space<hbm>>
      %dma_wait3A_155 = tpu.memref_squeeze %dma_wait3A_154 : memref<1x128x1xi32, #tpu.memory_space<hbm>> -> memref<128x1xi32, #tpu.memory_space<hbm>>
      %dma_wait3A_156 = arith.constant 0 : i32
      %dma_wait3A_157 = arith.constant 0 : i32
      %dma_wait3A_158 = tpu.memref_slice %arg2[%add3A, %dma_wait3A_156, %dma_wait3A_157] : memref<32x128x1xi32, #tpu.memory_space<hbm>> -> memref<1x128x1xi32, #tpu.memory_space<hbm>>
      %dma_wait3A_159 = tpu.memref_squeeze %dma_wait3A_158 : memref<1x128x1xi32, #tpu.memory_space<hbm>> -> memref<128x1xi32, #tpu.memory_space<hbm>>
      tpu.wait_dma2 semaphore(%run_scoped3A : memref<!tpu.dma_semaphore, #tpu.memory_space<semaphore_mem>>) src(%dma_wait3A_159 : memref<128x1xi32, #tpu.memory_space<hbm>>) dst(%arg8 : memref<128x1xi32, #tpu.memory_space<vmem>>)
      tpu.yield
    }) : () -> ()
    "tpu.region"() ({
      %run_scoped3A = tpu.sem_alloc : memref<!tpu.dma_semaphore, #tpu.memory_space<semaphore_mem>>
      tpu.enqueue_dma source(%arg3 : memref<4096xf32, #tpu.memory_space<hbm>>) target(%arg9 : memref<4096xf32, #tpu.memory_space<vmem>>) target_semaphore(%run_scoped3A : memref<!tpu.dma_semaphore, #tpu.memory_space<semaphore_mem>>)
      tpu.wait_dma2 semaphore(%run_scoped3A : memref<!tpu.dma_semaphore, #tpu.memory_space<semaphore_mem>>) src(%arg3 : memref<4096xf32, #tpu.memory_space<hbm>>) dst(%arg9 : memref<4096xf32, #tpu.memory_space<vmem>>)
      tpu.yield
    }) : () -> ()
    %dma_start3A = arith.constant 0 : i32
    %dma_start3A_3 = arith.constant 0 : i32
    %dma_start3A_4 = arith.constant 0 : i32
    %dma_start3A_5 = arith.constant 0 : i32
    %dma_start3A_6 = arith.constant 0 : i32
    %dma_start3A_7 = tpu.memref_slice %arg10[%dma_start3A_3, %dma_start3A_5, %dma_start3A_6] : memref<4x1x4096xf32, #tpu.memory_space<vmem>> -> memref<1x1x4096xf32, #tpu.memory_space<vmem>>
    %dma_start3A_8 = tpu.memref_squeeze %dma_start3A_7 : memref<1x1x4096xf32, #tpu.memory_space<vmem>> -> memref<1x4096xf32, #tpu.memory_space<vmem>>
    %dma_start3A_9 = arith.constant 0 : i32
    %dma_start3A_10 = tpu.memref_slice %arg8[%dma_start3A, %dma_start3A_9] : memref<128x1xi32, #tpu.memory_space<vmem>> -> memref<1x1xi32, #tpu.memory_space<vmem>>
    %dma_start3A_11 = tpu.memref_squeeze %dma_start3A_10 : memref<1x1xi32, #tpu.memory_space<vmem>> -> memref<1xi32, #tpu.memory_space<vmem>>
    %dma_start3A_12 = arith.constant 0 : i32
    %dma_start3A_13 = arith.constant 0 : i32
    %dma_start3A_14 = tpu.memref_slice %arg4[%dma_start3A_12, %dma_start3A_13] : memref<10000x19756xf32, #tpu.memory_space<hbm>> -> memref<10000x4096xf32, #tpu.memory_space<hbm>>
    %dma_start3A_15 = tpu.memref_slice %arg14[%dma_start3A_4] : memref<4x!tpu.dma_semaphore, #tpu.memory_space<semaphore_mem>> -> memref<1x!tpu.dma_semaphore, #tpu.memory_space<semaphore_mem>>
    %dma_start3A_16 = tpu.memref_squeeze %dma_start3A_15 : memref<1x!tpu.dma_semaphore, #tpu.memory_space<semaphore_mem>> -> memref<!tpu.dma_semaphore, #tpu.memory_space<semaphore_mem>>
    tpu.enqueue_indirect_dma source(%dma_start3A_14 : memref<10000x4096xf32, #tpu.memory_space<hbm>>) target(%dma_start3A_8 : memref<1x4096xf32, #tpu.memory_space<vmem>>) offsets(%dma_start3A_11 : memref<1xi32, #tpu.memory_space<vmem>>) semaphore(%dma_start3A_16 : memref<!tpu.dma_semaphore, #tpu.memory_space<semaphore_mem>>)
    %dma_start3A_17 = arith.constant 1 : i32
    %dma_start3A_18 = arith.constant 1 : i32
    %dma_start3A_19 = arith.constant 1 : i32
    %dma_start3A_20 = arith.constant 0 : i32
    %dma_start3A_21 = arith.constant 0 : i32
    %dma_start3A_22 = tpu.memref_slice %arg10[%dma_start3A_18, %dma_start3A_20, %dma_start3A_21] : memref<4x1x4096xf32, #tpu.memory_space<vmem>> -> memref<1x1x4096xf32, #tpu.memory_space<vmem>>
    %dma_start3A_23 = tpu.memref_squeeze %dma_start3A_22 : memref<1x1x4096xf32, #tpu.memory_space<vmem>> -> memref<1x4096xf32, #tpu.memory_space<vmem>>
    %dma_start3A_24 = arith.constant 0 : i32
    %dma_start3A_25 = tpu.memref_slice %arg8[%dma_start3A_17, %dma_start3A_24] : memref<128x1xi32, #tpu.memory_space<vmem>> -> memref<1x1xi32, #tpu.memory_space<vmem>>
    %dma_start3A_26 = tpu.memref_squeeze %dma_start3A_25 : memref<1x1xi32, #tpu.memory_space<vmem>> -> memref<1xi32, #tpu.memory_space<vmem>>
    %dma_start3A_27 = arith.constant 0 : i32
    %dma_start3A_28 = arith.constant 0 : i32
    %dma_start3A_29 = tpu.memref_slice %arg4[%dma_start3A_27, %dma_start3A_28] : memref<10000x19756xf32, #tpu.memory_space<hbm>> -> memref<10000x4096xf32, #tpu.memory_space<hbm>>
    %dma_start3A_30 = tpu.memref_slice %arg14[%dma_start3A_19] : memref<4x!tpu.dma_semaphore, #tpu.memory_space<semaphore_mem>> -> memref<1x!tpu.dma_semaphore, #tpu.memory_space<semaphore_mem>>
    %dma_start3A_31 = tpu.memref_squeeze %dma_start3A_30 : memref<1x!tpu.dma_semaphore, #tpu.memory_space<semaphore_mem>> -> memref<!tpu.dma_semaphore, #tpu.memory_space<semaphore_mem>>
    tpu.enqueue_indirect_dma source(%dma_start3A_29 : memref<10000x4096xf32, #tpu.memory_space<hbm>>) target(%dma_start3A_23 : memref<1x4096xf32, #tpu.memory_space<vmem>>) offsets(%dma_start3A_26 : memref<1xi32, #tpu.memory_space<vmem>>) semaphore(%dma_start3A_31 : memref<!tpu.dma_semaphore, #tpu.memory_space<semaphore_mem>>)
    %dma_start3A_32 = arith.constant 2 : i32
    %dma_start3A_33 = arith.constant 2 : i32
    %dma_start3A_34 = arith.constant 2 : i32
    %dma_start3A_35 = arith.constant 0 : i32
    %dma_start3A_36 = arith.constant 0 : i32
    %dma_start3A_37 = tpu.memref_slice %arg10[%dma_start3A_33, %dma_start3A_35, %dma_start3A_36] : memref<4x1x4096xf32, #tpu.memory_space<vmem>> -> memref<1x1x4096xf32, #tpu.memory_space<vmem>>
    %dma_start3A_38 = tpu.memref_squeeze %dma_start3A_37 : memref<1x1x4096xf32, #tpu.memory_space<vmem>> -> memref<1x4096xf32, #tpu.memory_space<vmem>>
    %dma_start3A_39 = arith.constant 0 : i32
    %dma_start3A_40 = tpu.memref_slice %arg8[%dma_start3A_32, %dma_start3A_39] : memref<128x1xi32, #tpu.memory_space<vmem>> -> memref<1x1xi32, #tpu.memory_space<vmem>>
    %dma_start3A_41 = tpu.memref_squeeze %dma_start3A_40 : memref<1x1xi32, #tpu.memory_space<vmem>> -> memref<1xi32, #tpu.memory_space<vmem>>
    %dma_start3A_42 = arith.constant 0 : i32
    %dma_start3A_43 = arith.constant 0 : i32
    %dma_start3A_44 = tpu.memref_slice %arg4[%dma_start3A_42, %dma_start3A_43] : memref<10000x19756xf32, #tpu.memory_space<hbm>> -> memref<10000x4096xf32, #tpu.memory_space<hbm>>
    %dma_start3A_45 = tpu.memref_slice %arg14[%dma_start3A_34] : memref<4x!tpu.dma_semaphore, #tpu.memory_space<semaphore_mem>> -> memref<1x!tpu.dma_semaphore, #tpu.memory_space<semaphore_mem>>
    %dma_start3A_46 = tpu.memref_squeeze %dma_start3A_45 : memref<1x!tpu.dma_semaphore, #tpu.memory_space<semaphore_mem>> -> memref<!tpu.dma_semaphore, #tpu.memory_space<semaphore_mem>>
    tpu.enqueue_indirect_dma source(%dma_start3A_44 : memref<10000x4096xf32, #tpu.memory_space<hbm>>) target(%dma_start3A_38 : memref<1x4096xf32, #tpu.memory_space<vmem>>) offsets(%dma_start3A_41 : memref<1xi32, #tpu.memory_space<vmem>>) semaphore(%dma_start3A_46 : memref<!tpu.dma_semaphore, #tpu.memory_space<semaphore_mem>>)
    %dma_start3A_47 = arith.constant 3 : i32
    %dma_start3A_48 = arith.constant 3 : i32
    %dma_start3A_49 = arith.constant 3 : i32
    %dma_start3A_50 = arith.constant 0 : i32
    %dma_start3A_51 = arith.constant 0 : i32
    %dma_start3A_52 = tpu.memref_slice %arg10[%dma_start3A_48, %dma_start3A_50, %dma_start3A_51] : memref<4x1x4096xf32, #tpu.memory_space<vmem>> -> memref<1x1x4096xf32, #tpu.memory_space<vmem>>
    %dma_start3A_53 = tpu.memref_squeeze %dma_start3A_52 : memref<1x1x4096xf32, #tpu.memory_space<vmem>> -> memref<1x4096xf32, #tpu.memory_space<vmem>>
    %dma_start3A_54 = arith.constant 0 : i32
    %dma_start3A_55 = tpu.memref_slice %arg8[%dma_start3A_47, %dma_start3A_54] : memref<128x1xi32, #tpu.memory_space<vmem>> -> memref<1x1xi32, #tpu.memory_space<vmem>>
    %dma_start3A_56 = tpu.memref_squeeze %dma_start3A_55 : memref<1x1xi32, #tpu.memory_space<vmem>> -> memref<1xi32, #tpu.memory_space<vmem>>
    %dma_start3A_57 = arith.constant 0 : i32
    %dma_start3A_58 = arith.constant 0 : i32
    %dma_start3A_59 = tpu.memref_slice %arg4[%dma_start3A_57, %dma_start3A_58] : memref<10000x19756xf32, #tpu.memory_space<hbm>> -> memref<10000x4096xf32, #tpu.memory_space<hbm>>
    %dma_start3A_60 = tpu.memref_slice %arg14[%dma_start3A_49] : memref<4x!tpu.dma_semaphore, #tpu.memory_space<semaphore_mem>> -> memref<1x!tpu.dma_semaphore, #tpu.memory_space<semaphore_mem>>
    %dma_start3A_61 = tpu.memref_squeeze %dma_start3A_60 : memref<1x!tpu.dma_semaphore, #tpu.memory_space<semaphore_mem>> -> memref<!tpu.dma_semaphore, #tpu.memory_space<semaphore_mem>>
    tpu.enqueue_indirect_dma source(%dma_start3A_59 : memref<10000x4096xf32, #tpu.memory_space<hbm>>) target(%dma_start3A_53 : memref<1x4096xf32, #tpu.memory_space<vmem>>) offsets(%dma_start3A_56 : memref<1xi32, #tpu.memory_space<vmem>>) semaphore(%dma_start3A_61 : memref<!tpu.dma_semaphore, #tpu.memory_space<semaphore_mem>>)
    %scan3A = arith.constant 0 : i32
    %scan3A_62 = arith.constant 0 : i32
    %scan3A_63 = arith.constant 32 : i32
    %scan3A_64 = arith.addi %scan3A_62, %scan3A_63 : i32
    %scan3A_65 = arith.constant 1 : i32
    scf.for %scan3A_144 = %scan3A_62 to %scan3A_64 step %scan3A_65  : i32 {
      %rem3A = arith.constant 2 : i32
      %rem3A_145 = arith.remsi %scan3A_144, %rem3A : i32
      %ge3A = arith.constant 2 : i32
      %ge3A_146 = arith.cmpi sge, %scan3A_144, %ge3A : i32
      %convert_element_type3A = arith.extui %ge3A_146 : i1 to i32
      %cond3A = arith.constant 0 : i32
      %cond3A_147 = arith.cmpi ne, %convert_element_type3A, %cond3A : i32
      scf.if %cond3A_147 {
        %sub3A_667 = arith.constant 2 : i32
        %sub3A_668 = arith.subi %scan3A_144, %sub3A_667 : i32
        %mul3A_669 = arith.constant 5416 : i32
        %mul3A_670 = arith.muli %rem3A_145, %mul3A_669 : i32
        %mul3A_671 = arith.constant 4 : i32
        %mul3A_672 = arith.muli %mul3A_671, %sub3A_668 : i32
        %add3A_673 = arith.addi %mul3A_2, %mul3A_672 : i32
        %mul3A_674 = arith.constant 1354 : i32
        %mul3A_675 = arith.muli %add3A_673, %mul3A_674 : i32
        %dma_wait3A_676 = tpu.memref_slice %arg11[%mul3A_670] : memref<10832xf32, #tpu.memory_space<vmem>> -> memref<5416xf32, #tpu.memory_space<vmem>>
        %dma_wait3A_677 = tpu.memref_slice %arg5[%mul3A_675] : memref<5545984xf32, #tpu.memory_space<hbm>> -> memref<5416xf32, #tpu.memory_space<hbm>>
        %dma_wait3A_678 = tpu.memref_slice %arg15[%rem3A_145] : memref<2x!tpu.dma_semaphore, #tpu.memory_space<semaphore_mem>> -> memref<1x!tpu.dma_semaphore, #tpu.memory_space<semaphore_mem>>
        %dma_wait3A_679 = tpu.memref_squeeze %dma_wait3A_678 : memref<1x!tpu.dma_semaphore, #tpu.memory_space<semaphore_mem>> -> memref<!tpu.dma_semaphore, #tpu.memory_space<semaphore_mem>>
        %dma_wait3A_680 = tpu.memref_slice %arg5[%mul3A_675] : memref<5545984xf32, #tpu.memory_space<hbm>> -> memref<5416xf32, #tpu.memory_space<hbm>>
        %dma_wait3A_681 = tpu.memref_slice %arg11[%mul3A_670] : memref<10832xf32, #tpu.memory_space<vmem>> -> memref<5416xf32, #tpu.memory_space<vmem>>
        tpu.wait_dma2 semaphore(%dma_wait3A_679 : memref<!tpu.dma_semaphore, #tpu.memory_space<semaphore_mem>>) src(%dma_wait3A_681 : memref<5416xf32, #tpu.memory_space<vmem>>) dst(%dma_wait3A_680 : memref<5416xf32, #tpu.memory_space<hbm>>)
        %sub3A_682 = arith.constant 2 : i32
        %sub3A_683 = arith.subi %scan3A_144, %sub3A_682 : i32
        %mul3A_684 = arith.constant 5416 : i32
        %mul3A_685 = arith.muli %rem3A_145, %mul3A_684 : i32
        %mul3A_686 = arith.constant 4 : i32
        %mul3A_687 = arith.muli %mul3A_686, %sub3A_683 : i32
        %add3A_688 = arith.addi %mul3A_2, %mul3A_687 : i32
        %mul3A_689 = arith.constant 1354 : i32
        %mul3A_690 = arith.muli %add3A_688, %mul3A_689 : i32
        %dma_wait3A_691 = tpu.memref_slice %arg12[%mul3A_685] : memref<10832xf32, #tpu.memory_space<vmem>> -> memref<5416xf32, #tpu.memory_space<vmem>>
        %dma_wait3A_692 = tpu.memref_slice %arg6[%mul3A_690] : memref<5545984xf32, #tpu.memory_space<hbm>> -> memref<5416xf32, #tpu.memory_space<hbm>>
        %dma_wait3A_693 = tpu.memref_slice %arg15[%rem3A_145] : memref<2x!tpu.dma_semaphore, #tpu.memory_space<semaphore_mem>> -> memref<1x!tpu.dma_semaphore, #tpu.memory_space<semaphore_mem>>
        %dma_wait3A_694 = tpu.memref_squeeze %dma_wait3A_693 : memref<1x!tpu.dma_semaphore, #tpu.memory_space<semaphore_mem>> -> memref<!tpu.dma_semaphore, #tpu.memory_space<semaphore_mem>>
        %dma_wait3A_695 = tpu.memref_slice %arg6[%mul3A_690] : memref<5545984xf32, #tpu.memory_space<hbm>> -> memref<5416xf32, #tpu.memory_space<hbm>>
        %dma_wait3A_696 = tpu.memref_slice %arg12[%mul3A_685] : memref<10832xf32, #tpu.memory_space<vmem>> -> memref<5416xf32, #tpu.memory_space<vmem>>
        tpu.wait_dma2 semaphore(%dma_wait3A_694 : memref<!tpu.dma_semaphore, #tpu.memory_space<semaphore_mem>>) src(%dma_wait3A_696 : memref<5416xf32, #tpu.memory_space<vmem>>) dst(%dma_wait3A_695 : memref<5416xf32, #tpu.memory_space<hbm>>)
        %sub3A_697 = arith.constant 2 : i32
        %sub3A_698 = arith.subi %scan3A_144, %sub3A_697 : i32
        %mul3A_699 = arith.constant 5416 : i32
        %mul3A_700 = arith.muli %rem3A_145, %mul3A_699 : i32
        %mul3A_701 = arith.constant 4 : i32
        %mul3A_702 = arith.muli %mul3A_701, %sub3A_698 : i32
        %add3A_703 = arith.addi %mul3A_2, %mul3A_702 : i32
        %mul3A_704 = arith.constant 1354 : i32
        %mul3A_705 = arith.muli %add3A_703, %mul3A_704 : i32
        %dma_wait3A_706 = tpu.memref_slice %arg13[%mul3A_700] : memref<10832xf32, #tpu.memory_space<vmem>> -> memref<5416xf32, #tpu.memory_space<vmem>>
        %dma_wait3A_707 = tpu.memref_slice %arg7[%mul3A_705] : memref<5545984xf32, #tpu.memory_space<hbm>> -> memref<5416xf32, #tpu.memory_space<hbm>>
        %dma_wait3A_708 = tpu.memref_slice %arg15[%rem3A_145] : memref<2x!tpu.dma_semaphore, #tpu.memory_space<semaphore_mem>> -> memref<1x!tpu.dma_semaphore, #tpu.memory_space<semaphore_mem>>
        %dma_wait3A_709 = tpu.memref_squeeze %dma_wait3A_708 : memref<1x!tpu.dma_semaphore, #tpu.memory_space<semaphore_mem>> -> memref<!tpu.dma_semaphore, #tpu.memory_space<semaphore_mem>>
        %dma_wait3A_710 = tpu.memref_slice %arg7[%mul3A_705] : memref<5545984xf32, #tpu.memory_space<hbm>> -> memref<5416xf32, #tpu.memory_space<hbm>>
        %dma_wait3A_711 = tpu.memref_slice %arg13[%mul3A_700] : memref<10832xf32, #tpu.memory_space<vmem>> -> memref<5416xf32, #tpu.memory_space<vmem>>
        tpu.wait_dma2 semaphore(%dma_wait3A_709 : memref<!tpu.dma_semaphore, #tpu.memory_space<semaphore_mem>>) src(%dma_wait3A_711 : memref<5416xf32, #tpu.memory_space<vmem>>) dst(%dma_wait3A_710 : memref<5416xf32, #tpu.memory_space<hbm>>)
      } else {
      }
      %mul3A_148 = arith.constant 4 : i32
      %mul3A_149 = arith.muli %scan3A_144, %mul3A_148 : i32
      %add3A_150 = arith.constant 0 : i32
      %add3A_151 = arith.addi %mul3A_149, %add3A_150 : i32
      %dma_wait3A_152 = arith.constant 0 : i32
      %dma_wait3A_153 = arith.constant 0 : i32
      %dma_wait3A_154 = arith.constant 0 : i32
      %dma_wait3A_155 = arith.constant 0 : i32
      %dma_wait3A_156 = tpu.memref_slice %arg10[%dma_wait3A_152, %dma_wait3A_154, %dma_wait3A_155] : memref<4x1x4096xf32, #tpu.memory_space<vmem>> -> memref<1x1x4096xf32, #tpu.memory_space<vmem>>
      %dma_wait3A_157 = tpu.memref_squeeze %dma_wait3A_156 : memref<1x1x4096xf32, #tpu.memory_space<vmem>> -> memref<1x4096xf32, #tpu.memory_space<vmem>>
      %dma_wait3A_158 = arith.constant 0 : i32
      %dma_wait3A_159 = tpu.memref_slice %arg8[%add3A_151, %dma_wait3A_158] : memref<128x1xi32, #tpu.memory_space<vmem>> -> memref<1x1xi32, #tpu.memory_space<vmem>>
      %dma_wait3A_160 = tpu.memref_squeeze %dma_wait3A_159 : memref<1x1xi32, #tpu.memory_space<vmem>> -> memref<1xi32, #tpu.memory_space<vmem>>
      %dma_wait3A_161 = arith.constant 0 : i32
      %dma_wait3A_162 = arith.constant 0 : i32
      %dma_wait3A_163 = tpu.memref_slice %arg4[%dma_wait3A_161, %dma_wait3A_162] : memref<10000x19756xf32, #tpu.memory_space<hbm>> -> memref<10000x4096xf32, #tpu.memory_space<hbm>>
      %dma_wait3A_164 = tpu.memref_slice %arg14[%dma_wait3A_153] : memref<4x!tpu.dma_semaphore, #tpu.memory_space<semaphore_mem>> -> memref<1x!tpu.dma_semaphore, #tpu.memory_space<semaphore_mem>>
      %dma_wait3A_165 = tpu.memref_squeeze %dma_wait3A_164 : memref<1x!tpu.dma_semaphore, #tpu.memory_space<semaphore_mem>> -> memref<!tpu.dma_semaphore, #tpu.memory_space<semaphore_mem>>
      tpu.wait_indirect_dma semaphore(%dma_wait3A_165 : memref<!tpu.dma_semaphore, #tpu.memory_space<semaphore_mem>>) src(%dma_wait3A_163 : memref<10000x4096xf32, #tpu.memory_space<hbm>>) dst(%dma_wait3A_157 : memref<1x4096xf32, #tpu.memory_space<vmem>>)
      %scan3A_166 = arith.constant 0 : i32
      %scan3A_167 = arith.constant 0 : i32
      %scan3A_168 = arith.constant 0 : i32
      %scan3A_169 = arith.constant 0 : i32
      %scan3A_170 = arith.constant 84 : i32
      %scan3A_171 = arith.addi %scan3A_169, %scan3A_170 : i32
      %scan3A_172 = arith.constant 1 : i32
      scf.for %scan3A_667 = %scan3A_169 to %scan3A_171 step %scan3A_172  : i32 {
        %mul3A_668 = arith.constant 16 : i32
        %mul3A_669 = arith.muli %scan3A_667, %mul3A_668 : i32
        %multiple_of3A = tpu.assume_multiple %mul3A_669, 16 : i32
        %add3A_670 = arith.constant 0 : i32
        %add3A_671 = arith.addi %add3A_670, %multiple_of3A : i32
        %get3A_672 = arith.constant 0 : i32
        %get3A_673 = tpu.memref_slice %arg10[%scan3A_167, %scan3A_168, %get3A_672] : memref<4x1x4096xf32, #tpu.memory_space<vmem>> -> memref<1x1x4096xf32, #tpu.memory_space<vmem>>
        %get3A_674 = tpu.memref_squeeze %get3A_673 : memref<1x1x4096xf32, #tpu.memory_space<vmem>> -> memref<4096xf32, #tpu.memory_space<vmem>>
        %get3A_675 = arith.index_cast %add3A_671 : i32 to index
        %get3A_676 = tpu.vector_load %get3A_674[%get3A_675] {strides = array<i32>} : memref<4096xf32, #tpu.memory_space<vmem>>, vector<16xf32>,
        %get3A_677 = vector.shape_cast %get3A_676 : vector<16xf32> to vector<16xf32>
        %add3A_678 = arith.constant 0 : i32
        %add3A_679 = arith.addi %add3A_678, %multiple_of3A : i32
        %get3A_680 = arith.index_cast %add3A_679 : i32 to index
        %get3A_681 = tpu.vector_load %arg9[%get3A_680] {strides = array<i32>} : memref<4096xf32, #tpu.memory_space<vmem>>, vector<16xf32>,
        %get3A_682 = vector.shape_cast %get3A_681 : vector<16xf32> to vector<16xf32>
        %add3A_683 = arith.addf %get3A_677, %get3A_682 : vector<16xf32>
        %mul3A_684 = arith.constant 5416 : i32
        %mul3A_685 = arith.muli %rem3A_145, %mul3A_684 : i32
        %add3A_686 = arith.constant 0 : i32
        %add3A_687 = arith.addi %mul3A_685, %add3A_686 : i32
        %add3A_688 = arith.addi %add3A_687, %multiple_of3A : i32
        %swap3A_689 = arith.index_cast %add3A_688 : i32 to index
        %swap3A_690 = tpu.vector_load %arg11[%swap3A_689] {strides = array<i32>} : memref<10832xf32, #tpu.memory_space<vmem>>, vector<16xf32>,
        %swap3A_691 = vector.shape_cast %swap3A_690 : vector<16xf32> to vector<16xf32>
        %swap3A_692 = vector.shape_cast %add3A_683 : vector<16xf32> to vector<16xf32>
        tpu.vector_store %arg11[%swap3A_689], %swap3A_692 {strides = array<i32>} : memref<10832xf32, #tpu.memory_space<vmem>>, vector<16xf32>,
      }
      %scan3A_173 = arith.constant 84 : i32
      %get3A = arith.constant 0 : i32
      %get3A_174 = arith.constant 0 : i32
      %get3A_175 = arith.constant 0 : i32
      %get3A_176 = tpu.memref_slice %arg10[%get3A, %get3A_174, %get3A_175] : memref<4x1x4096xf32, #tpu.memory_space<vmem>> -> memref<1x1x4096xf32, #tpu.memory_space<vmem>>
      %get3A_177 = tpu.memref_squeeze %get3A_176 : memref<1x1x4096xf32, #tpu.memory_space<vmem>> -> memref<4096xf32, #tpu.memory_space<vmem>>
      %get3A_178 = arith.constant 1338 : index
      %get3A_179 = tpu.vector_load %get3A_177[%get3A_178] {strides = array<i32>} : memref<4096xf32, #tpu.memory_space<vmem>>, vector<16xf32>,
      %get3A_180 = vector.shape_cast %get3A_179 : vector<16xf32> to vector<16xf32>
      %get3A_181 = arith.constant 1338 : index
      %get3A_182 = tpu.vector_load %arg9[%get3A_181] {strides = array<i32>} : memref<4096xf32, #tpu.memory_space<vmem>>, vector<16xf32>,
      %get3A_183 = vector.shape_cast %get3A_182 : vector<16xf32> to vector<16xf32>
      %add3A_184 = arith.addf %get3A_180, %get3A_183 : vector<16xf32>
      %mul3A_185 = arith.constant 5416 : i32
      %mul3A_186 = arith.muli %rem3A_145, %mul3A_185 : i32
      %add3A_187 = arith.constant 0 : i32
      %add3A_188 = arith.addi %mul3A_186, %add3A_187 : i32
      %add3A_189 = arith.constant 1354 : i32
      %add3A_190 = arith.addi %add3A_188, %add3A_189 : i32
      %sub3A = arith.constant 16 : i32
      %sub3A_191 = arith.subi %add3A_190, %sub3A : i32
      %swap3A = arith.index_cast %sub3A_191 : i32 to index
      %swap3A_192 = tpu.vector_load %arg11[%swap3A] {strides = array<i32>} : memref<10832xf32, #tpu.memory_space<vmem>>, vector<16xf32>,
      %swap3A_193 = vector.shape_cast %swap3A_192 : vector<16xf32> to vector<16xf32>
      %swap3A_194 = vector.shape_cast %add3A_184 : vector<16xf32> to vector<16xf32>
      tpu.vector_store %arg11[%swap3A], %swap3A_194 {strides = array<i32>} : memref<10832xf32, #tpu.memory_space<vmem>>, vector<16xf32>,
      %scan3A_195 = arith.constant 0 : i32
      %scan3A_196 = arith.constant 0 : i32
      %scan3A_197 = arith.constant 0 : i32
      %scan3A_198 = arith.constant 0 : i32
      %scan3A_199 = arith.constant 84 : i32
      %scan3A_200 = arith.addi %scan3A_198, %scan3A_199 : i32
      %scan3A_201 = arith.constant 1 : i32
      scf.for %scan3A_667 = %scan3A_198 to %scan3A_200 step %scan3A_201  : i32 {
        %mul3A_668 = arith.constant 16 : i32
        %mul3A_669 = arith.muli %scan3A_667, %mul3A_668 : i32
        %multiple_of3A = tpu.assume_multiple %mul3A_669, 16 : i32
        %add3A_670 = arith.constant 1354 : i32
        %add3A_671 = arith.addi %add3A_670, %multiple_of3A : i32
        %get3A_672 = arith.constant 0 : i32
        %get3A_673 = tpu.memref_slice %arg10[%scan3A_196, %scan3A_197, %get3A_672] : memref<4x1x4096xf32, #tpu.memory_space<vmem>> -> memref<1x1x4096xf32, #tpu.memory_space<vmem>>
        %get3A_674 = tpu.memref_squeeze %get3A_673 : memref<1x1x4096xf32, #tpu.memory_space<vmem>> -> memref<4096xf32, #tpu.memory_space<vmem>>
        %get3A_675 = arith.index_cast %add3A_671 : i32 to index
        %get3A_676 = tpu.vector_load %get3A_674[%get3A_675] {strides = array<i32>} : memref<4096xf32, #tpu.memory_space<vmem>>, vector<16xf32>,
        %get3A_677 = vector.shape_cast %get3A_676 : vector<16xf32> to vector<16xf32>
        %add3A_678 = arith.constant 1354 : i32
        %add3A_679 = arith.addi %add3A_678, %multiple_of3A : i32
        %get3A_680 = arith.index_cast %add3A_679 : i32 to index
        %get3A_681 = tpu.vector_load %arg9[%get3A_680] {strides = array<i32>} : memref<4096xf32, #tpu.memory_space<vmem>>, vector<16xf32>,
        %get3A_682 = vector.shape_cast %get3A_681 : vector<16xf32> to vector<16xf32>
        %add3A_683 = arith.addf %get3A_677, %get3A_682 : vector<16xf32>
        %mul3A_684 = arith.constant 5416 : i32
        %mul3A_685 = arith.muli %rem3A_145, %mul3A_684 : i32
        %add3A_686 = arith.constant 0 : i32
        %add3A_687 = arith.addi %mul3A_685, %add3A_686 : i32
        %add3A_688 = arith.addi %add3A_687, %multiple_of3A : i32
        %swap3A_689 = arith.index_cast %add3A_688 : i32 to index
        %swap3A_690 = tpu.vector_load %arg12[%swap3A_689] {strides = array<i32>} : memref<10832xf32, #tpu.memory_space<vmem>>, vector<16xf32>,
        %swap3A_691 = vector.shape_cast %swap3A_690 : vector<16xf32> to vector<16xf32>
        %swap3A_692 = vector.shape_cast %add3A_683 : vector<16xf32> to vector<16xf32>
        tpu.vector_store %arg12[%swap3A_689], %swap3A_692 {strides = array<i32>} : memref<10832xf32, #tpu.memory_space<vmem>>, vector<16xf32>,
      }
      %scan3A_202 = arith.constant 84 : i32
      %get3A_203 = arith.constant 0 : i32
      %get3A_204 = arith.constant 0 : i32
      %get3A_205 = arith.constant 0 : i32
      %get3A_206 = tpu.memref_slice %arg10[%get3A_203, %get3A_204, %get3A_205] : memref<4x1x4096xf32, #tpu.memory_space<vmem>> -> memref<1x1x4096xf32, #tpu.memory_space<vmem>>
      %get3A_207 = tpu.memref_squeeze %get3A_206 : memref<1x1x4096xf32, #tpu.memory_space<vmem>> -> memref<4096xf32, #tpu.memory_space<vmem>>
      %get3A_208 = arith.constant 2692 : index
      %get3A_209 = tpu.vector_load %get3A_207[%get3A_208] {strides = array<i32>} : memref<4096xf32, #tpu.memory_space<vmem>>, vector<16xf32>,
      %get3A_210 = vector.shape_cast %get3A_209 : vector<16xf32> to vector<16xf32>
      %get3A_211 = arith.constant 2692 : index
      %get3A_212 = tpu.vector_load %arg9[%get3A_211] {strides = array<i32>} : memref<4096xf32, #tpu.memory_space<vmem>>, vector<16xf32>,
      %get3A_213 = vector.shape_cast %get3A_212 : vector<16xf32> to vector<16xf32>
      %add3A_214 = arith.addf %get3A_210, %get3A_213 : vector<16xf32>
      %mul3A_215 = arith.constant 5416 : i32
      %mul3A_216 = arith.muli %rem3A_145, %mul3A_215 : i32
      %add3A_217 = arith.constant 0 : i32
      %add3A_218 = arith.addi %mul3A_216, %add3A_217 : i32
      %add3A_219 = arith.constant 1354 : i32
      %add3A_220 = arith.addi %add3A_218, %add3A_219 : i32
      %sub3A_221 = arith.constant 16 : i32
      %sub3A_222 = arith.subi %add3A_220, %sub3A_221 : i32
      %swap3A_223 = arith.index_cast %sub3A_222 : i32 to index
      %swap3A_224 = tpu.vector_load %arg12[%swap3A_223] {strides = array<i32>} : memref<10832xf32, #tpu.memory_space<vmem>>, vector<16xf32>,
      %swap3A_225 = vector.shape_cast %swap3A_224 : vector<16xf32> to vector<16xf32>
      %swap3A_226 = vector.shape_cast %add3A_214 : vector<16xf32> to vector<16xf32>
      tpu.vector_store %arg12[%swap3A_223], %swap3A_226 {strides = array<i32>} : memref<10832xf32, #tpu.memory_space<vmem>>, vector<16xf32>,
      %scan3A_227 = arith.constant 0 : i32
      %scan3A_228 = arith.constant 0 : i32
      %scan3A_229 = arith.constant 0 : i32
      %scan3A_230 = arith.constant 0 : i32
      %scan3A_231 = arith.constant 84 : i32
      %scan3A_232 = arith.addi %scan3A_230, %scan3A_231 : i32
      %scan3A_233 = arith.constant 1 : i32
      scf.for %scan3A_667 = %scan3A_230 to %scan3A_232 step %scan3A_233  : i32 {
        %mul3A_668 = arith.constant 16 : i32
        %mul3A_669 = arith.muli %scan3A_667, %mul3A_668 : i32
        %multiple_of3A = tpu.assume_multiple %mul3A_669, 16 : i32
        %add3A_670 = arith.constant 2708 : i32
        %add3A_671 = arith.addi %add3A_670, %multiple_of3A : i32
        %get3A_672 = arith.constant 0 : i32
        %get3A_673 = tpu.memref_slice %arg10[%scan3A_228, %scan3A_229, %get3A_672] : memref<4x1x4096xf32, #tpu.memory_space<vmem>> -> memref<1x1x4096xf32, #tpu.memory_space<vmem>>
        %get3A_674 = tpu.memref_squeeze %get3A_673 : memref<1x1x4096xf32, #tpu.memory_space<vmem>> -> memref<4096xf32, #tpu.memory_space<vmem>>
        %get3A_675 = arith.index_cast %add3A_671 : i32 to index
        %get3A_676 = tpu.vector_load %get3A_674[%get3A_675] {strides = array<i32>} : memref<4096xf32, #tpu.memory_space<vmem>>, vector<16xf32>,
        %get3A_677 = vector.shape_cast %get3A_676 : vector<16xf32> to vector<16xf32>
        %add3A_678 = arith.constant 2708 : i32
        %add3A_679 = arith.addi %add3A_678, %multiple_of3A : i32
        %get3A_680 = arith.index_cast %add3A_679 : i32 to index
        %get3A_681 = tpu.vector_load %arg9[%get3A_680] {strides = array<i32>} : memref<4096xf32, #tpu.memory_space<vmem>>, vector<16xf32>,
        %get3A_682 = vector.shape_cast %get3A_681 : vector<16xf32> to vector<16xf32>
        %add3A_683 = arith.addf %get3A_677, %get3A_682 : vector<16xf32>
        %mul3A_684 = arith.constant 5416 : i32
        %mul3A_685 = arith.muli %rem3A_145, %mul3A_684 : i32
        %add3A_686 = arith.constant 0 : i32
        %add3A_687 = arith.addi %mul3A_685, %add3A_686 : i32
        %add3A_688 = arith.addi %add3A_687, %multiple_of3A : i32
        %swap3A_689 = arith.index_cast %add3A_688 : i32 to index
        %swap3A_690 = tpu.vector_load %arg13[%swap3A_689] {strides = array<i32>} : memref<10832xf32, #tpu.memory_space<vmem>>, vector<16xf32>,
        %swap3A_691 = vector.shape_cast %swap3A_690 : vector<16xf32> to vector<16xf32>
        %swap3A_692 = vector.shape_cast %add3A_683 : vector<16xf32> to vector<16xf32>
        tpu.vector_store %arg13[%swap3A_689], %swap3A_692 {strides = array<i32>} : memref<10832xf32, #tpu.memory_space<vmem>>, vector<16xf32>,
      }
      %scan3A_234 = arith.constant 84 : i32
      %get3A_235 = arith.constant 0 : i32
      %get3A_236 = arith.constant 0 : i32
      %get3A_237 = arith.constant 0 : i32
      %get3A_238 = tpu.memref_slice %arg10[%get3A_235, %get3A_236, %get3A_237] : memref<4x1x4096xf32, #tpu.memory_space<vmem>> -> memref<1x1x4096xf32, #tpu.memory_space<vmem>>
      %get3A_239 = tpu.memref_squeeze %get3A_238 : memref<1x1x4096xf32, #tpu.memory_space<vmem>> -> memref<4096xf32, #tpu.memory_space<vmem>>
      %get3A_240 = arith.constant 4046 : index
      %get3A_241 = tpu.vector_load %get3A_239[%get3A_240] {strides = array<i32>} : memref<4096xf32, #tpu.memory_space<vmem>>, vector<16xf32>,
      %get3A_242 = vector.shape_cast %get3A_241 : vector<16xf32> to vector<16xf32>
      %get3A_243 = arith.constant 4046 : index
      %get3A_244 = tpu.vector_load %arg9[%get3A_243] {strides = array<i32>} : memref<4096xf32, #tpu.memory_space<vmem>>, vector<16xf32>,
      %get3A_245 = vector.shape_cast %get3A_244 : vector<16xf32> to vector<16xf32>
      %add3A_246 = arith.addf %get3A_242, %get3A_245 : vector<16xf32>
      %mul3A_247 = arith.constant 5416 : i32
      %mul3A_248 = arith.muli %rem3A_145, %mul3A_247 : i32
      %add3A_249 = arith.constant 0 : i32
      %add3A_250 = arith.addi %mul3A_248, %add3A_249 : i32
      %add3A_251 = arith.constant 1354 : i32
      %add3A_252 = arith.addi %add3A_250, %add3A_251 : i32
      %sub3A_253 = arith.constant 16 : i32
      %sub3A_254 = arith.subi %add3A_252, %sub3A_253 : i32
      %swap3A_255 = arith.index_cast %sub3A_254 : i32 to index
      %swap3A_256 = tpu.vector_load %arg13[%swap3A_255] {strides = array<i32>} : memref<10832xf32, #tpu.memory_space<vmem>>, vector<16xf32>,
      %swap3A_257 = vector.shape_cast %swap3A_256 : vector<16xf32> to vector<16xf32>
      %swap3A_258 = vector.shape_cast %add3A_246 : vector<16xf32> to vector<16xf32>
      tpu.vector_store %arg13[%swap3A_255], %swap3A_258 {strides = array<i32>} : memref<10832xf32, #tpu.memory_space<vmem>>, vector<16xf32>,
      %add3A_259 = arith.constant 4 : i32
      %add3A_260 = arith.addi %add3A_151, %add3A_259 : i32
      %lt3A = arith.constant 128 : i32
      %lt3A_261 = arith.cmpi slt, %add3A_260, %lt3A : i32
      %convert_element_type3A_262 = arith.extui %lt3A_261 : i1 to i32
      %cond3A_263 = arith.constant 0 : i32
      %cond3A_264 = arith.cmpi ne, %convert_element_type3A_262, %cond3A_263 : i32
      scf.if %cond3A_264 {
        %add3A_667 = arith.constant 4 : i32
        %add3A_668 = arith.addi %add3A_151, %add3A_667 : i32
        %dma_start3A_669 = arith.constant 0 : i32
        %dma_start3A_670 = arith.constant 0 : i32
        %dma_start3A_671 = arith.constant 0 : i32
        %dma_start3A_672 = arith.constant 0 : i32
        %dma_start3A_673 = tpu.memref_slice %arg10[%dma_start3A_669, %dma_start3A_671, %dma_start3A_672] : memref<4x1x4096xf32, #tpu.memory_space<vmem>> -> memref<1x1x4096xf32, #tpu.memory_space<vmem>>
        %dma_start3A_674 = tpu.memref_squeeze %dma_start3A_673 : memref<1x1x4096xf32, #tpu.memory_space<vmem>> -> memref<1x4096xf32, #tpu.memory_space<vmem>>
        %dma_start3A_675 = arith.constant 0 : i32
        %dma_start3A_676 = tpu.memref_slice %arg8[%add3A_668, %dma_start3A_675] : memref<128x1xi32, #tpu.memory_space<vmem>> -> memref<1x1xi32, #tpu.memory_space<vmem>>
        %dma_start3A_677 = tpu.memref_squeeze %dma_start3A_676 : memref<1x1xi32, #tpu.memory_space<vmem>> -> memref<1xi32, #tpu.memory_space<vmem>>
        %dma_start3A_678 = arith.constant 0 : i32
        %dma_start3A_679 = arith.constant 0 : i32
        %dma_start3A_680 = tpu.memref_slice %arg4[%dma_start3A_678, %dma_start3A_679] : memref<10000x19756xf32, #tpu.memory_space<hbm>> -> memref<10000x4096xf32, #tpu.memory_space<hbm>>
        %dma_start3A_681 = tpu.memref_slice %arg14[%dma_start3A_670] : memref<4x!tpu.dma_semaphore, #tpu.memory_space<semaphore_mem>> -> memref<1x!tpu.dma_semaphore, #tpu.memory_space<semaphore_mem>>
        %dma_start3A_682 = tpu.memref_squeeze %dma_start3A_681 : memref<1x!tpu.dma_semaphore, #tpu.memory_space<semaphore_mem>> -> memref<!tpu.dma_semaphore, #tpu.memory_space<semaphore_mem>>
        tpu.enqueue_indirect_dma source(%dma_start3A_680 : memref<10000x4096xf32, #tpu.memory_space<hbm>>) target(%dma_start3A_674 : memref<1x4096xf32, #tpu.memory_space<vmem>>) offsets(%dma_start3A_677 : memref<1xi32, #tpu.memory_space<vmem>>) semaphore(%dma_start3A_682 : memref<!tpu.dma_semaphore, #tpu.memory_space<semaphore_mem>>)
      } else {
      }
      %mul3A_265 = arith.constant 4 : i32
      %mul3A_266 = arith.muli %scan3A_144, %mul3A_265 : i32
      %add3A_267 = arith.constant 1 : i32
      %add3A_268 = arith.addi %mul3A_266, %add3A_267 : i32
      %dma_wait3A_269 = arith.constant 1 : i32
      %dma_wait3A_270 = arith.constant 1 : i32
      %dma_wait3A_271 = arith.constant 0 : i32
      %dma_wait3A_272 = arith.constant 0 : i32
      %dma_wait3A_273 = tpu.memref_slice %arg10[%dma_wait3A_269, %dma_wait3A_271, %dma_wait3A_272] : memref<4x1x4096xf32, #tpu.memory_space<vmem>> -> memref<1x1x4096xf32, #tpu.memory_space<vmem>>
      %dma_wait3A_274 = tpu.memref_squeeze %dma_wait3A_273 : memref<1x1x4096xf32, #tpu.memory_space<vmem>> -> memref<1x4096xf32, #tpu.memory_space<vmem>>
      %dma_wait3A_275 = arith.constant 0 : i32
      %dma_wait3A_276 = tpu.memref_slice %arg8[%add3A_268, %dma_wait3A_275] : memref<128x1xi32, #tpu.memory_space<vmem>> -> memref<1x1xi32, #tpu.memory_space<vmem>>
      %dma_wait3A_277 = tpu.memref_squeeze %dma_wait3A_276 : memref<1x1xi32, #tpu.memory_space<vmem>> -> memref<1xi32, #tpu.memory_space<vmem>>
      %dma_wait3A_278 = arith.constant 0 : i32
      %dma_wait3A_279 = arith.constant 0 : i32
      %dma_wait3A_280 = tpu.memref_slice %arg4[%dma_wait3A_278, %dma_wait3A_279] : memref<10000x19756xf32, #tpu.memory_space<hbm>> -> memref<10000x4096xf32, #tpu.memory_space<hbm>>
      %dma_wait3A_281 = tpu.memref_slice %arg14[%dma_wait3A_270] : memref<4x!tpu.dma_semaphore, #tpu.memory_space<semaphore_mem>> -> memref<1x!tpu.dma_semaphore, #tpu.memory_space<semaphore_mem>>
      %dma_wait3A_282 = tpu.memref_squeeze %dma_wait3A_281 : memref<1x!tpu.dma_semaphore, #tpu.memory_space<semaphore_mem>> -> memref<!tpu.dma_semaphore, #tpu.memory_space<semaphore_mem>>
      tpu.wait_indirect_dma semaphore(%dma_wait3A_282 : memref<!tpu.dma_semaphore, #tpu.memory_space<semaphore_mem>>) src(%dma_wait3A_280 : memref<10000x4096xf32, #tpu.memory_space<hbm>>) dst(%dma_wait3A_274 : memref<1x4096xf32, #tpu.memory_space<vmem>>)
      %scan3A_283 = arith.constant 0 : i32
      %scan3A_284 = arith.constant 1 : i32
      %scan3A_285 = arith.constant 0 : i32
      %scan3A_286 = arith.constant 0 : i32
      %scan3A_287 = arith.constant 84 : i32
      %scan3A_288 = arith.addi %scan3A_286, %scan3A_287 : i32
      %scan3A_289 = arith.constant 1 : i32
      scf.for %scan3A_667 = %scan3A_286 to %scan3A_288 step %scan3A_289  : i32 {
        %mul3A_668 = arith.constant 16 : i32
        %mul3A_669 = arith.muli %scan3A_667, %mul3A_668 : i32
        %multiple_of3A = tpu.assume_multiple %mul3A_669, 16 : i32
        %add3A_670 = arith.constant 0 : i32
        %add3A_671 = arith.addi %add3A_670, %multiple_of3A : i32
        %get3A_672 = arith.constant 0 : i32
        %get3A_673 = tpu.memref_slice %arg10[%scan3A_284, %scan3A_285, %get3A_672] : memref<4x1x4096xf32, #tpu.memory_space<vmem>> -> memref<1x1x4096xf32, #tpu.memory_space<vmem>>
        %get3A_674 = tpu.memref_squeeze %get3A_673 : memref<1x1x4096xf32, #tpu.memory_space<vmem>> -> memref<4096xf32, #tpu.memory_space<vmem>>
        %get3A_675 = arith.index_cast %add3A_671 : i32 to index
        %get3A_676 = tpu.vector_load %get3A_674[%get3A_675] {strides = array<i32>} : memref<4096xf32, #tpu.memory_space<vmem>>, vector<16xf32>,
        %get3A_677 = vector.shape_cast %get3A_676 : vector<16xf32> to vector<16xf32>
        %add3A_678 = arith.constant 0 : i32
        %add3A_679 = arith.addi %add3A_678, %multiple_of3A : i32
        %get3A_680 = arith.index_cast %add3A_679 : i32 to index
        %get3A_681 = tpu.vector_load %arg9[%get3A_680] {strides = array<i32>} : memref<4096xf32, #tpu.memory_space<vmem>>, vector<16xf32>,
        %get3A_682 = vector.shape_cast %get3A_681 : vector<16xf32> to vector<16xf32>
        %add3A_683 = arith.addf %get3A_677, %get3A_682 : vector<16xf32>
        %mul3A_684 = arith.constant 5416 : i32
        %mul3A_685 = arith.muli %rem3A_145, %mul3A_684 : i32
        %add3A_686 = arith.constant 1354 : i32
        %add3A_687 = arith.addi %mul3A_685, %add3A_686 : i32
        %add3A_688 = arith.addi %add3A_687, %multiple_of3A : i32
        %swap3A_689 = arith.index_cast %add3A_688 : i32 to index
        %swap3A_690 = tpu.vector_load %arg11[%swap3A_689] {strides = array<i32>} : memref<10832xf32, #tpu.memory_space<vmem>>, vector<16xf32>,
        %swap3A_691 = vector.shape_cast %swap3A_690 : vector<16xf32> to vector<16xf32>
        %swap3A_692 = vector.shape_cast %add3A_683 : vector<16xf32> to vector<16xf32>
        tpu.vector_store %arg11[%swap3A_689], %swap3A_692 {strides = array<i32>} : memref<10832xf32, #tpu.memory_space<vmem>>, vector<16xf32>,
      }
      %scan3A_290 = arith.constant 84 : i32
      %get3A_291 = arith.constant 1 : i32
      %get3A_292 = arith.constant 0 : i32
      %get3A_293 = arith.constant 0 : i32
      %get3A_294 = tpu.memref_slice %arg10[%get3A_291, %get3A_292, %get3A_293] : memref<4x1x4096xf32, #tpu.memory_space<vmem>> -> memref<1x1x4096xf32, #tpu.memory_space<vmem>>
      %get3A_295 = tpu.memref_squeeze %get3A_294 : memref<1x1x4096xf32, #tpu.memory_space<vmem>> -> memref<4096xf32, #tpu.memory_space<vmem>>
      %get3A_296 = arith.constant 1338 : index
      %get3A_297 = tpu.vector_load %get3A_295[%get3A_296] {strides = array<i32>} : memref<4096xf32, #tpu.memory_space<vmem>>, vector<16xf32>,
      %get3A_298 = vector.shape_cast %get3A_297 : vector<16xf32> to vector<16xf32>
      %get3A_299 = arith.constant 1338 : index
      %get3A_300 = tpu.vector_load %arg9[%get3A_299] {strides = array<i32>} : memref<4096xf32, #tpu.memory_space<vmem>>, vector<16xf32>,
      %get3A_301 = vector.shape_cast %get3A_300 : vector<16xf32> to vector<16xf32>
      %add3A_302 = arith.addf %get3A_298, %get3A_301 : vector<16xf32>
      %mul3A_303 = arith.constant 5416 : i32
      %mul3A_304 = arith.muli %rem3A_145, %mul3A_303 : i32
      %add3A_305 = arith.constant 1354 : i32
      %add3A_306 = arith.addi %mul3A_304, %add3A_305 : i32
      %add3A_307 = arith.constant 1354 : i32
      %add3A_308 = arith.addi %add3A_306, %add3A_307 : i32
      %sub3A_309 = arith.constant 16 : i32
      %sub3A_310 = arith.subi %add3A_308, %sub3A_309 : i32
      %swap3A_311 = arith.index_cast %sub3A_310 : i32 to index
      %swap3A_312 = tpu.vector_load %arg11[%swap3A_311] {strides = array<i32>} : memref<10832xf32, #tpu.memory_space<vmem>>, vector<16xf32>,
      %swap3A_313 = vector.shape_cast %swap3A_312 : vector<16xf32> to vector<16xf32>
      %swap3A_314 = vector.shape_cast %add3A_302 : vector<16xf32> to vector<16xf32>
      tpu.vector_store %arg11[%swap3A_311], %swap3A_314 {strides = array<i32>} : memref<10832xf32, #tpu.memory_space<vmem>>, vector<16xf32>,
      %scan3A_315 = arith.constant 0 : i32
      %scan3A_316 = arith.constant 1 : i32
      %scan3A_317 = arith.constant 0 : i32
      %scan3A_318 = arith.constant 0 : i32
      %scan3A_319 = arith.constant 84 : i32
      %scan3A_320 = arith.addi %scan3A_318, %scan3A_319 : i32
      %scan3A_321 = arith.constant 1 : i32
      scf.for %scan3A_667 = %scan3A_318 to %scan3A_320 step %scan3A_321  : i32 {
        %mul3A_668 = arith.constant 16 : i32
        %mul3A_669 = arith.muli %scan3A_667, %mul3A_668 : i32
        %multiple_of3A = tpu.assume_multiple %mul3A_669, 16 : i32
        %add3A_670 = arith.constant 1354 : i32
        %add3A_671 = arith.addi %add3A_670, %multiple_of3A : i32
        %get3A_672 = arith.constant 0 : i32
        %get3A_673 = tpu.memref_slice %arg10[%scan3A_316, %scan3A_317, %get3A_672] : memref<4x1x4096xf32, #tpu.memory_space<vmem>> -> memref<1x1x4096xf32, #tpu.memory_space<vmem>>
        %get3A_674 = tpu.memref_squeeze %get3A_673 : memref<1x1x4096xf32, #tpu.memory_space<vmem>> -> memref<4096xf32, #tpu.memory_space<vmem>>
        %get3A_675 = arith.index_cast %add3A_671 : i32 to index
        %get3A_676 = tpu.vector_load %get3A_674[%get3A_675] {strides = array<i32>} : memref<4096xf32, #tpu.memory_space<vmem>>, vector<16xf32>,
        %get3A_677 = vector.shape_cast %get3A_676 : vector<16xf32> to vector<16xf32>
        %add3A_678 = arith.constant 1354 : i32
        %add3A_679 = arith.addi %add3A_678, %multiple_of3A : i32
        %get3A_680 = arith.index_cast %add3A_679 : i32 to index
        %get3A_681 = tpu.vector_load %arg9[%get3A_680] {strides = array<i32>} : memref<4096xf32, #tpu.memory_space<vmem>>, vector<16xf32>,
        %get3A_682 = vector.shape_cast %get3A_681 : vector<16xf32> to vector<16xf32>
        %add3A_683 = arith.addf %get3A_677, %get3A_682 : vector<16xf32>
        %mul3A_684 = arith.constant 5416 : i32
        %mul3A_685 = arith.muli %rem3A_145, %mul3A_684 : i32
        %add3A_686 = arith.constant 1354 : i32
        %add3A_687 = arith.addi %mul3A_685, %add3A_686 : i32
        %add3A_688 = arith.addi %add3A_687, %multiple_of3A : i32
        %swap3A_689 = arith.index_cast %add3A_688 : i32 to index
        %swap3A_690 = tpu.vector_load %arg12[%swap3A_689] {strides = array<i32>} : memref<10832xf32, #tpu.memory_space<vmem>>, vector<16xf32>,
        %swap3A_691 = vector.shape_cast %swap3A_690 : vector<16xf32> to vector<16xf32>
        %swap3A_692 = vector.shape_cast %add3A_683 : vector<16xf32> to vector<16xf32>
        tpu.vector_store %arg12[%swap3A_689], %swap3A_692 {strides = array<i32>} : memref<10832xf32, #tpu.memory_space<vmem>>, vector<16xf32>,
      }
      %scan3A_322 = arith.constant 84 : i32
      %get3A_323 = arith.constant 1 : i32
      %get3A_324 = arith.constant 0 : i32
      %get3A_325 = arith.constant 0 : i32
      %get3A_326 = tpu.memref_slice %arg10[%get3A_323, %get3A_324, %get3A_325] : memref<4x1x4096xf32, #tpu.memory_space<vmem>> -> memref<1x1x4096xf32, #tpu.memory_space<vmem>>
      %get3A_327 = tpu.memref_squeeze %get3A_326 : memref<1x1x4096xf32, #tpu.memory_space<vmem>> -> memref<4096xf32, #tpu.memory_space<vmem>>
      %get3A_328 = arith.constant 2692 : index
      %get3A_329 = tpu.vector_load %get3A_327[%get3A_328] {strides = array<i32>} : memref<4096xf32, #tpu.memory_space<vmem>>, vector<16xf32>,
      %get3A_330 = vector.shape_cast %get3A_329 : vector<16xf32> to vector<16xf32>
      %get3A_331 = arith.constant 2692 : index
      %get3A_332 = tpu.vector_load %arg9[%get3A_331] {strides = array<i32>} : memref<4096xf32, #tpu.memory_space<vmem>>, vector<16xf32>,
      %get3A_333 = vector.shape_cast %get3A_332 : vector<16xf32> to vector<16xf32>
      %add3A_334 = arith.addf %get3A_330, %get3A_333 : vector<16xf32>
      %mul3A_335 = arith.constant 5416 : i32
      %mul3A_336 = arith.muli %rem3A_145, %mul3A_335 : i32
      %add3A_337 = arith.constant 1354 : i32
      %add3A_338 = arith.addi %mul3A_336, %add3A_337 : i32
      %add3A_339 = arith.constant 1354 : i32
      %add3A_340 = arith.addi %add3A_338, %add3A_339 : i32
      %sub3A_341 = arith.constant 16 : i32
      %sub3A_342 = arith.subi %add3A_340, %sub3A_341 : i32
      %swap3A_343 = arith.index_cast %sub3A_342 : i32 to index
      %swap3A_344 = tpu.vector_load %arg12[%swap3A_343] {strides = array<i32>} : memref<10832xf32, #tpu.memory_space<vmem>>, vector<16xf32>,
      %swap3A_345 = vector.shape_cast %swap3A_344 : vector<16xf32> to vector<16xf32>
      %swap3A_346 = vector.shape_cast %add3A_334 : vector<16xf32> to vector<16xf32>
      tpu.vector_store %arg12[%swap3A_343], %swap3A_346 {strides = array<i32>} : memref<10832xf32, #tpu.memory_space<vmem>>, vector<16xf32>,
      %scan3A_347 = arith.constant 0 : i32
      %scan3A_348 = arith.constant 1 : i32
      %scan3A_349 = arith.constant 0 : i32
      %scan3A_350 = arith.constant 0 : i32
      %scan3A_351 = arith.constant 84 : i32
      %scan3A_352 = arith.addi %scan3A_350, %scan3A_351 : i32
      %scan3A_353 = arith.constant 1 : i32
      scf.for %scan3A_667 = %scan3A_350 to %scan3A_352 step %scan3A_353  : i32 {
        %mul3A_668 = arith.constant 16 : i32
        %mul3A_669 = arith.muli %scan3A_667, %mul3A_668 : i32
        %multiple_of3A = tpu.assume_multiple %mul3A_669, 16 : i32
        %add3A_670 = arith.constant 2708 : i32
        %add3A_671 = arith.addi %add3A_670, %multiple_of3A : i32
        %get3A_672 = arith.constant 0 : i32
        %get3A_673 = tpu.memref_slice %arg10[%scan3A_348, %scan3A_349, %get3A_672] : memref<4x1x4096xf32, #tpu.memory_space<vmem>> -> memref<1x1x4096xf32, #tpu.memory_space<vmem>>
        %get3A_674 = tpu.memref_squeeze %get3A_673 : memref<1x1x4096xf32, #tpu.memory_space<vmem>> -> memref<4096xf32, #tpu.memory_space<vmem>>
        %get3A_675 = arith.index_cast %add3A_671 : i32 to index
        %get3A_676 = tpu.vector_load %get3A_674[%get3A_675] {strides = array<i32>} : memref<4096xf32, #tpu.memory_space<vmem>>, vector<16xf32>,
        %get3A_677 = vector.shape_cast %get3A_676 : vector<16xf32> to vector<16xf32>
        %add3A_678 = arith.constant 2708 : i32
        %add3A_679 = arith.addi %add3A_678, %multiple_of3A : i32
        %get3A_680 = arith.index_cast %add3A_679 : i32 to index
        %get3A_681 = tpu.vector_load %arg9[%get3A_680] {strides = array<i32>} : memref<4096xf32, #tpu.memory_space<vmem>>, vector<16xf32>,
        %get3A_682 = vector.shape_cast %get3A_681 : vector<16xf32> to vector<16xf32>
        %add3A_683 = arith.addf %get3A_677, %get3A_682 : vector<16xf32>
        %mul3A_684 = arith.constant 5416 : i32
        %mul3A_685 = arith.muli %rem3A_145, %mul3A_684 : i32
        %add3A_686 = arith.constant 1354 : i32
        %add3A_687 = arith.addi %mul3A_685, %add3A_686 : i32
        %add3A_688 = arith.addi %add3A_687, %multiple_of3A : i32
        %swap3A_689 = arith.index_cast %add3A_688 : i32 to index
        %swap3A_690 = tpu.vector_load %arg13[%swap3A_689] {strides = array<i32>} : memref<10832xf32, #tpu.memory_space<vmem>>, vector<16xf32>,
        %swap3A_691 = vector.shape_cast %swap3A_690 : vector<16xf32> to vector<16xf32>
        %swap3A_692 = vector.shape_cast %add3A_683 : vector<16xf32> to vector<16xf32>
        tpu.vector_store %arg13[%swap3A_689], %swap3A_692 {strides = array<i32>} : memref<10832xf32, #tpu.memory_space<vmem>>, vector<16xf32>,
      }
      %scan3A_354 = arith.constant 84 : i32
      %get3A_355 = arith.constant 1 : i32
      %get3A_356 = arith.constant 0 : i32
      %get3A_357 = arith.constant 0 : i32
      %get3A_358 = tpu.memref_slice %arg10[%get3A_355, %get3A_356, %get3A_357] : memref<4x1x4096xf32, #tpu.memory_space<vmem>> -> memref<1x1x4096xf32, #tpu.memory_space<vmem>>
      %get3A_359 = tpu.memref_squeeze %get3A_358 : memref<1x1x4096xf32, #tpu.memory_space<vmem>> -> memref<4096xf32, #tpu.memory_space<vmem>>
      %get3A_360 = arith.constant 4046 : index
      %get3A_361 = tpu.vector_load %get3A_359[%get3A_360] {strides = array<i32>} : memref<4096xf32, #tpu.memory_space<vmem>>, vector<16xf32>,
      %get3A_362 = vector.shape_cast %get3A_361 : vector<16xf32> to vector<16xf32>
      %get3A_363 = arith.constant 4046 : index
      %get3A_364 = tpu.vector_load %arg9[%get3A_363] {strides = array<i32>} : memref<4096xf32, #tpu.memory_space<vmem>>, vector<16xf32>,
      %get3A_365 = vector.shape_cast %get3A_364 : vector<16xf32> to vector<16xf32>
      %add3A_366 = arith.addf %get3A_362, %get3A_365 : vector<16xf32>
      %mul3A_367 = arith.constant 5416 : i32
      %mul3A_368 = arith.muli %rem3A_145, %mul3A_367 : i32
      %add3A_369 = arith.constant 1354 : i32
      %add3A_370 = arith.addi %mul3A_368, %add3A_369 : i32
      %add3A_371 = arith.constant 1354 : i32
      %add3A_372 = arith.addi %add3A_370, %add3A_371 : i32
      %sub3A_373 = arith.constant 16 : i32
      %sub3A_374 = arith.subi %add3A_372, %sub3A_373 : i32
      %swap3A_375 = arith.index_cast %sub3A_374 : i32 to index
      %swap3A_376 = tpu.vector_load %arg13[%swap3A_375] {strides = array<i32>} : memref<10832xf32, #tpu.memory_space<vmem>>, vector<16xf32>,
      %swap3A_377 = vector.shape_cast %swap3A_376 : vector<16xf32> to vector<16xf32>
      %swap3A_378 = vector.shape_cast %add3A_366 : vector<16xf32> to vector<16xf32>
      tpu.vector_store %arg13[%swap3A_375], %swap3A_378 {strides = array<i32>} : memref<10832xf32, #tpu.memory_space<vmem>>, vector<16xf32>,
      %add3A_379 = arith.constant 4 : i32
      %add3A_380 = arith.addi %add3A_268, %add3A_379 : i32
      %lt3A_381 = arith.constant 128 : i32
      %lt3A_382 = arith.cmpi slt, %add3A_380, %lt3A_381 : i32
      %convert_element_type3A_383 = arith.extui %lt3A_382 : i1 to i32
      %cond3A_384 = arith.constant 0 : i32
      %cond3A_385 = arith.cmpi ne, %convert_element_type3A_383, %cond3A_384 : i32
      scf.if %cond3A_385 {
        %add3A_667 = arith.constant 4 : i32
        %add3A_668 = arith.addi %add3A_268, %add3A_667 : i32
        %dma_start3A_669 = arith.constant 1 : i32
        %dma_start3A_670 = arith.constant 1 : i32
        %dma_start3A_671 = arith.constant 0 : i32
        %dma_start3A_672 = arith.constant 0 : i32
        %dma_start3A_673 = tpu.memref_slice %arg10[%dma_start3A_669, %dma_start3A_671, %dma_start3A_672] : memref<4x1x4096xf32, #tpu.memory_space<vmem>> -> memref<1x1x4096xf32, #tpu.memory_space<vmem>>
        %dma_start3A_674 = tpu.memref_squeeze %dma_start3A_673 : memref<1x1x4096xf32, #tpu.memory_space<vmem>> -> memref<1x4096xf32, #tpu.memory_space<vmem>>
        %dma_start3A_675 = arith.constant 0 : i32
        %dma_start3A_676 = tpu.memref_slice %arg8[%add3A_668, %dma_start3A_675] : memref<128x1xi32, #tpu.memory_space<vmem>> -> memref<1x1xi32, #tpu.memory_space<vmem>>
        %dma_start3A_677 = tpu.memref_squeeze %dma_start3A_676 : memref<1x1xi32, #tpu.memory_space<vmem>> -> memref<1xi32, #tpu.memory_space<vmem>>
        %dma_start3A_678 = arith.constant 0 : i32
        %dma_start3A_679 = arith.constant 0 : i32
        %dma_start3A_680 = tpu.memref_slice %arg4[%dma_start3A_678, %dma_start3A_679] : memref<10000x19756xf32, #tpu.memory_space<hbm>> -> memref<10000x4096xf32, #tpu.memory_space<hbm>>
        %dma_start3A_681 = tpu.memref_slice %arg14[%dma_start3A_670] : memref<4x!tpu.dma_semaphore, #tpu.memory_space<semaphore_mem>> -> memref<1x!tpu.dma_semaphore, #tpu.memory_space<semaphore_mem>>
        %dma_start3A_682 = tpu.memref_squeeze %dma_start3A_681 : memref<1x!tpu.dma_semaphore, #tpu.memory_space<semaphore_mem>> -> memref<!tpu.dma_semaphore, #tpu.memory_space<semaphore_mem>>
        tpu.enqueue_indirect_dma source(%dma_start3A_680 : memref<10000x4096xf32, #tpu.memory_space<hbm>>) target(%dma_start3A_674 : memref<1x4096xf32, #tpu.memory_space<vmem>>) offsets(%dma_start3A_677 : memref<1xi32, #tpu.memory_space<vmem>>) semaphore(%dma_start3A_682 : memref<!tpu.dma_semaphore, #tpu.memory_space<semaphore_mem>>)
      } else {
      }
      %mul3A_386 = arith.constant 4 : i32
      %mul3A_387 = arith.muli %scan3A_144, %mul3A_386 : i32
      %add3A_388 = arith.constant 2 : i32
      %add3A_389 = arith.addi %mul3A_387, %add3A_388 : i32
      %dma_wait3A_390 = arith.constant 2 : i32
      %dma_wait3A_391 = arith.constant 2 : i32
      %dma_wait3A_392 = arith.constant 0 : i32
      %dma_wait3A_393 = arith.constant 0 : i32
      %dma_wait3A_394 = tpu.memref_slice %arg10[%dma_wait3A_390, %dma_wait3A_392, %dma_wait3A_393] : memref<4x1x4096xf32, #tpu.memory_space<vmem>> -> memref<1x1x4096xf32, #tpu.memory_space<vmem>>
      %dma_wait3A_395 = tpu.memref_squeeze %dma_wait3A_394 : memref<1x1x4096xf32, #tpu.memory_space<vmem>> -> memref<1x4096xf32, #tpu.memory_space<vmem>>
      %dma_wait3A_396 = arith.constant 0 : i32
      %dma_wait3A_397 = tpu.memref_slice %arg8[%add3A_389, %dma_wait3A_396] : memref<128x1xi32, #tpu.memory_space<vmem>> -> memref<1x1xi32, #tpu.memory_space<vmem>>
      %dma_wait3A_398 = tpu.memref_squeeze %dma_wait3A_397 : memref<1x1xi32, #tpu.memory_space<vmem>> -> memref<1xi32, #tpu.memory_space<vmem>>
      %dma_wait3A_399 = arith.constant 0 : i32
      %dma_wait3A_400 = arith.constant 0 : i32
      %dma_wait3A_401 = tpu.memref_slice %arg4[%dma_wait3A_399, %dma_wait3A_400] : memref<10000x19756xf32, #tpu.memory_space<hbm>> -> memref<10000x4096xf32, #tpu.memory_space<hbm>>
      %dma_wait3A_402 = tpu.memref_slice %arg14[%dma_wait3A_391] : memref<4x!tpu.dma_semaphore, #tpu.memory_space<semaphore_mem>> -> memref<1x!tpu.dma_semaphore, #tpu.memory_space<semaphore_mem>>
      %dma_wait3A_403 = tpu.memref_squeeze %dma_wait3A_402 : memref<1x!tpu.dma_semaphore, #tpu.memory_space<semaphore_mem>> -> memref<!tpu.dma_semaphore, #tpu.memory_space<semaphore_mem>>
      tpu.wait_indirect_dma semaphore(%dma_wait3A_403 : memref<!tpu.dma_semaphore, #tpu.memory_space<semaphore_mem>>) src(%dma_wait3A_401 : memref<10000x4096xf32, #tpu.memory_space<hbm>>) dst(%dma_wait3A_395 : memref<1x4096xf32, #tpu.memory_space<vmem>>)
      %scan3A_404 = arith.constant 0 : i32
      %scan3A_405 = arith.constant 2 : i32
      %scan3A_406 = arith.constant 0 : i32
      %scan3A_407 = arith.constant 0 : i32
      %scan3A_408 = arith.constant 84 : i32
      %scan3A_409 = arith.addi %scan3A_407, %scan3A_408 : i32
      %scan3A_410 = arith.constant 1 : i32
      scf.for %scan3A_667 = %scan3A_407 to %scan3A_409 step %scan3A_410  : i32 {
        %mul3A_668 = arith.constant 16 : i32
        %mul3A_669 = arith.muli %scan3A_667, %mul3A_668 : i32
        %multiple_of3A = tpu.assume_multiple %mul3A_669, 16 : i32
        %add3A_670 = arith.constant 0 : i32
        %add3A_671 = arith.addi %add3A_670, %multiple_of3A : i32
        %get3A_672 = arith.constant 0 : i32
        %get3A_673 = tpu.memref_slice %arg10[%scan3A_405, %scan3A_406, %get3A_672] : memref<4x1x4096xf32, #tpu.memory_space<vmem>> -> memref<1x1x4096xf32, #tpu.memory_space<vmem>>
        %get3A_674 = tpu.memref_squeeze %get3A_673 : memref<1x1x4096xf32, #tpu.memory_space<vmem>> -> memref<4096xf32, #tpu.memory_space<vmem>>
        %get3A_675 = arith.index_cast %add3A_671 : i32 to index
        %get3A_676 = tpu.vector_load %get3A_674[%get3A_675] {strides = array<i32>} : memref<4096xf32, #tpu.memory_space<vmem>>, vector<16xf32>,
        %get3A_677 = vector.shape_cast %get3A_676 : vector<16xf32> to vector<16xf32>
        %add3A_678 = arith.constant 0 : i32
        %add3A_679 = arith.addi %add3A_678, %multiple_of3A : i32
        %get3A_680 = arith.index_cast %add3A_679 : i32 to index
        %get3A_681 = tpu.vector_load %arg9[%get3A_680] {strides = array<i32>} : memref<4096xf32, #tpu.memory_space<vmem>>, vector<16xf32>,
        %get3A_682 = vector.shape_cast %get3A_681 : vector<16xf32> to vector<16xf32>
        %add3A_683 = arith.addf %get3A_677, %get3A_682 : vector<16xf32>
        %mul3A_684 = arith.constant 5416 : i32
        %mul3A_685 = arith.muli %rem3A_145, %mul3A_684 : i32
        %add3A_686 = arith.constant 2708 : i32
        %add3A_687 = arith.addi %mul3A_685, %add3A_686 : i32
        %add3A_688 = arith.addi %add3A_687, %multiple_of3A : i32
        %swap3A_689 = arith.index_cast %add3A_688 : i32 to index
        %swap3A_690 = tpu.vector_load %arg11[%swap3A_689] {strides = array<i32>} : memref<10832xf32, #tpu.memory_space<vmem>>, vector<16xf32>,
        %swap3A_691 = vector.shape_cast %swap3A_690 : vector<16xf32> to vector<16xf32>
        %swap3A_692 = vector.shape_cast %add3A_683 : vector<16xf32> to vector<16xf32>
        tpu.vector_store %arg11[%swap3A_689], %swap3A_692 {strides = array<i32>} : memref<10832xf32, #tpu.memory_space<vmem>>, vector<16xf32>,
      }
      %scan3A_411 = arith.constant 84 : i32
      %get3A_412 = arith.constant 2 : i32
      %get3A_413 = arith.constant 0 : i32
      %get3A_414 = arith.constant 0 : i32
      %get3A_415 = tpu.memref_slice %arg10[%get3A_412, %get3A_413, %get3A_414] : memref<4x1x4096xf32, #tpu.memory_space<vmem>> -> memref<1x1x4096xf32, #tpu.memory_space<vmem>>
      %get3A_416 = tpu.memref_squeeze %get3A_415 : memref<1x1x4096xf32, #tpu.memory_space<vmem>> -> memref<4096xf32, #tpu.memory_space<vmem>>
      %get3A_417 = arith.constant 1338 : index
      %get3A_418 = tpu.vector_load %get3A_416[%get3A_417] {strides = array<i32>} : memref<4096xf32, #tpu.memory_space<vmem>>, vector<16xf32>,
      %get3A_419 = vector.shape_cast %get3A_418 : vector<16xf32> to vector<16xf32>
      %get3A_420 = arith.constant 1338 : index
      %get3A_421 = tpu.vector_load %arg9[%get3A_420] {strides = array<i32>} : memref<4096xf32, #tpu.memory_space<vmem>>, vector<16xf32>,
      %get3A_422 = vector.shape_cast %get3A_421 : vector<16xf32> to vector<16xf32>
      %add3A_423 = arith.addf %get3A_419, %get3A_422 : vector<16xf32>
      %mul3A_424 = arith.constant 5416 : i32
      %mul3A_425 = arith.muli %rem3A_145, %mul3A_424 : i32
      %add3A_426 = arith.constant 2708 : i32
      %add3A_427 = arith.addi %mul3A_425, %add3A_426 : i32
      %add3A_428 = arith.constant 1354 : i32
      %add3A_429 = arith.addi %add3A_427, %add3A_428 : i32
      %sub3A_430 = arith.constant 16 : i32
      %sub3A_431 = arith.subi %add3A_429, %sub3A_430 : i32
      %swap3A_432 = arith.index_cast %sub3A_431 : i32 to index
      %swap3A_433 = tpu.vector_load %arg11[%swap3A_432] {strides = array<i32>} : memref<10832xf32, #tpu.memory_space<vmem>>, vector<16xf32>,
      %swap3A_434 = vector.shape_cast %swap3A_433 : vector<16xf32> to vector<16xf32>
      %swap3A_435 = vector.shape_cast %add3A_423 : vector<16xf32> to vector<16xf32>
      tpu.vector_store %arg11[%swap3A_432], %swap3A_435 {strides = array<i32>} : memref<10832xf32, #tpu.memory_space<vmem>>, vector<16xf32>,
      %scan3A_436 = arith.constant 0 : i32
      %scan3A_437 = arith.constant 2 : i32
      %scan3A_438 = arith.constant 0 : i32
      %scan3A_439 = arith.constant 0 : i32
      %scan3A_440 = arith.constant 84 : i32
      %scan3A_441 = arith.addi %scan3A_439, %scan3A_440 : i32
      %scan3A_442 = arith.constant 1 : i32
      scf.for %scan3A_667 = %scan3A_439 to %scan3A_441 step %scan3A_442  : i32 {
        %mul3A_668 = arith.constant 16 : i32
        %mul3A_669 = arith.muli %scan3A_667, %mul3A_668 : i32
        %multiple_of3A = tpu.assume_multiple %mul3A_669, 16 : i32
        %add3A_670 = arith.constant 1354 : i32
        %add3A_671 = arith.addi %add3A_670, %multiple_of3A : i32
        %get3A_672 = arith.constant 0 : i32
        %get3A_673 = tpu.memref_slice %arg10[%scan3A_437, %scan3A_438, %get3A_672] : memref<4x1x4096xf32, #tpu.memory_space<vmem>> -> memref<1x1x4096xf32, #tpu.memory_space<vmem>>
        %get3A_674 = tpu.memref_squeeze %get3A_673 : memref<1x1x4096xf32, #tpu.memory_space<vmem>> -> memref<4096xf32, #tpu.memory_space<vmem>>
        %get3A_675 = arith.index_cast %add3A_671 : i32 to index
        %get3A_676 = tpu.vector_load %get3A_674[%get3A_675] {strides = array<i32>} : memref<4096xf32, #tpu.memory_space<vmem>>, vector<16xf32>,
        %get3A_677 = vector.shape_cast %get3A_676 : vector<16xf32> to vector<16xf32>
        %add3A_678 = arith.constant 1354 : i32
        %add3A_679 = arith.addi %add3A_678, %multiple_of3A : i32
        %get3A_680 = arith.index_cast %add3A_679 : i32 to index
        %get3A_681 = tpu.vector_load %arg9[%get3A_680] {strides = array<i32>} : memref<4096xf32, #tpu.memory_space<vmem>>, vector<16xf32>,
        %get3A_682 = vector.shape_cast %get3A_681 : vector<16xf32> to vector<16xf32>
        %add3A_683 = arith.addf %get3A_677, %get3A_682 : vector<16xf32>
        %mul3A_684 = arith.constant 5416 : i32
        %mul3A_685 = arith.muli %rem3A_145, %mul3A_684 : i32
        %add3A_686 = arith.constant 2708 : i32
        %add3A_687 = arith.addi %mul3A_685, %add3A_686 : i32
        %add3A_688 = arith.addi %add3A_687, %multiple_of3A : i32
        %swap3A_689 = arith.index_cast %add3A_688 : i32 to index
        %swap3A_690 = tpu.vector_load %arg12[%swap3A_689] {strides = array<i32>} : memref<10832xf32, #tpu.memory_space<vmem>>, vector<16xf32>,
        %swap3A_691 = vector.shape_cast %swap3A_690 : vector<16xf32> to vector<16xf32>
        %swap3A_692 = vector.shape_cast %add3A_683 : vector<16xf32> to vector<16xf32>
        tpu.vector_store %arg12[%swap3A_689], %swap3A_692 {strides = array<i32>} : memref<10832xf32, #tpu.memory_space<vmem>>, vector<16xf32>,
      }
      %scan3A_443 = arith.constant 84 : i32
      %get3A_444 = arith.constant 2 : i32
      %get3A_445 = arith.constant 0 : i32
      %get3A_446 = arith.constant 0 : i32
      %get3A_447 = tpu.memref_slice %arg10[%get3A_444, %get3A_445, %get3A_446] : memref<4x1x4096xf32, #tpu.memory_space<vmem>> -> memref<1x1x4096xf32, #tpu.memory_space<vmem>>
      %get3A_448 = tpu.memref_squeeze %get3A_447 : memref<1x1x4096xf32, #tpu.memory_space<vmem>> -> memref<4096xf32, #tpu.memory_space<vmem>>
      %get3A_449 = arith.constant 2692 : index
      %get3A_450 = tpu.vector_load %get3A_448[%get3A_449] {strides = array<i32>} : memref<4096xf32, #tpu.memory_space<vmem>>, vector<16xf32>,
      %get3A_451 = vector.shape_cast %get3A_450 : vector<16xf32> to vector<16xf32>
      %get3A_452 = arith.constant 2692 : index
      %get3A_453 = tpu.vector_load %arg9[%get3A_452] {strides = array<i32>} : memref<4096xf32, #tpu.memory_space<vmem>>, vector<16xf32>,
      %get3A_454 = vector.shape_cast %get3A_453 : vector<16xf32> to vector<16xf32>
      %add3A_455 = arith.addf %get3A_451, %get3A_454 : vector<16xf32>
      %mul3A_456 = arith.constant 5416 : i32
      %mul3A_457 = arith.muli %rem3A_145, %mul3A_456 : i32
      %add3A_458 = arith.constant 2708 : i32
      %add3A_459 = arith.addi %mul3A_457, %add3A_458 : i32
      %add3A_460 = arith.constant 1354 : i32
      %add3A_461 = arith.addi %add3A_459, %add3A_460 : i32
      %sub3A_462 = arith.constant 16 : i32
      %sub3A_463 = arith.subi %add3A_461, %sub3A_462 : i32
      %swap3A_464 = arith.index_cast %sub3A_463 : i32 to index
      %swap3A_465 = tpu.vector_load %arg12[%swap3A_464] {strides = array<i32>} : memref<10832xf32, #tpu.memory_space<vmem>>, vector<16xf32>,
      %swap3A_466 = vector.shape_cast %swap3A_465 : vector<16xf32> to vector<16xf32>
      %swap3A_467 = vector.shape_cast %add3A_455 : vector<16xf32> to vector<16xf32>
      tpu.vector_store %arg12[%swap3A_464], %swap3A_467 {strides = array<i32>} : memref<10832xf32, #tpu.memory_space<vmem>>, vector<16xf32>,
      %scan3A_468 = arith.constant 0 : i32
      %scan3A_469 = arith.constant 2 : i32
      %scan3A_470 = arith.constant 0 : i32
      %scan3A_471 = arith.constant 0 : i32
      %scan3A_472 = arith.constant 84 : i32
      %scan3A_473 = arith.addi %scan3A_471, %scan3A_472 : i32
      %scan3A_474 = arith.constant 1 : i32
      scf.for %scan3A_667 = %scan3A_471 to %scan3A_473 step %scan3A_474  : i32 {
        %mul3A_668 = arith.constant 16 : i32
        %mul3A_669 = arith.muli %scan3A_667, %mul3A_668 : i32
        %multiple_of3A = tpu.assume_multiple %mul3A_669, 16 : i32
        %add3A_670 = arith.constant 2708 : i32
        %add3A_671 = arith.addi %add3A_670, %multiple_of3A : i32
        %get3A_672 = arith.constant 0 : i32
        %get3A_673 = tpu.memref_slice %arg10[%scan3A_469, %scan3A_470, %get3A_672] : memref<4x1x4096xf32, #tpu.memory_space<vmem>> -> memref<1x1x4096xf32, #tpu.memory_space<vmem>>
        %get3A_674 = tpu.memref_squeeze %get3A_673 : memref<1x1x4096xf32, #tpu.memory_space<vmem>> -> memref<4096xf32, #tpu.memory_space<vmem>>
        %get3A_675 = arith.index_cast %add3A_671 : i32 to index
        %get3A_676 = tpu.vector_load %get3A_674[%get3A_675] {strides = array<i32>} : memref<4096xf32, #tpu.memory_space<vmem>>, vector<16xf32>,
        %get3A_677 = vector.shape_cast %get3A_676 : vector<16xf32> to vector<16xf32>
        %add3A_678 = arith.constant 2708 : i32
        %add3A_679 = arith.addi %add3A_678, %multiple_of3A : i32
        %get3A_680 = arith.index_cast %add3A_679 : i32 to index
        %get3A_681 = tpu.vector_load %arg9[%get3A_680] {strides = array<i32>} : memref<4096xf32, #tpu.memory_space<vmem>>, vector<16xf32>,
        %get3A_682 = vector.shape_cast %get3A_681 : vector<16xf32> to vector<16xf32>
        %add3A_683 = arith.addf %get3A_677, %get3A_682 : vector<16xf32>
        %mul3A_684 = arith.constant 5416 : i32
        %mul3A_685 = arith.muli %rem3A_145, %mul3A_684 : i32
        %add3A_686 = arith.constant 2708 : i32
        %add3A_687 = arith.addi %mul3A_685, %add3A_686 : i32
        %add3A_688 = arith.addi %add3A_687, %multiple_of3A : i32
        %swap3A_689 = arith.index_cast %add3A_688 : i32 to index
        %swap3A_690 = tpu.vector_load %arg13[%swap3A_689] {strides = array<i32>} : memref<10832xf32, #tpu.memory_space<vmem>>, vector<16xf32>,
        %swap3A_691 = vector.shape_cast %swap3A_690 : vector<16xf32> to vector<16xf32>
        %swap3A_692 = vector.shape_cast %add3A_683 : vector<16xf32> to vector<16xf32>
        tpu.vector_store %arg13[%swap3A_689], %swap3A_692 {strides = array<i32>} : memref<10832xf32, #tpu.memory_space<vmem>>, vector<16xf32>,
      }
      %scan3A_475 = arith.constant 84 : i32
      %get3A_476 = arith.constant 2 : i32
      %get3A_477 = arith.constant 0 : i32
      %get3A_478 = arith.constant 0 : i32
      %get3A_479 = tpu.memref_slice %arg10[%get3A_476, %get3A_477, %get3A_478] : memref<4x1x4096xf32, #tpu.memory_space<vmem>> -> memref<1x1x4096xf32, #tpu.memory_space<vmem>>
      %get3A_480 = tpu.memref_squeeze %get3A_479 : memref<1x1x4096xf32, #tpu.memory_space<vmem>> -> memref<4096xf32, #tpu.memory_space<vmem>>
      %get3A_481 = arith.constant 4046 : index
      %get3A_482 = tpu.vector_load %get3A_480[%get3A_481] {strides = array<i32>} : memref<4096xf32, #tpu.memory_space<vmem>>, vector<16xf32>,
      %get3A_483 = vector.shape_cast %get3A_482 : vector<16xf32> to vector<16xf32>
      %get3A_484 = arith.constant 4046 : index
      %get3A_485 = tpu.vector_load %arg9[%get3A_484] {strides = array<i32>} : memref<4096xf32, #tpu.memory_space<vmem>>, vector<16xf32>,
      %get3A_486 = vector.shape_cast %get3A_485 : vector<16xf32> to vector<16xf32>
      %add3A_487 = arith.addf %get3A_483, %get3A_486 : vector<16xf32>
      %mul3A_488 = arith.constant 5416 : i32
      %mul3A_489 = arith.muli %rem3A_145, %mul3A_488 : i32
      %add3A_490 = arith.constant 2708 : i32
      %add3A_491 = arith.addi %mul3A_489, %add3A_490 : i32
      %add3A_492 = arith.constant 1354 : i32
      %add3A_493 = arith.addi %add3A_491, %add3A_492 : i32
      %sub3A_494 = arith.constant 16 : i32
      %sub3A_495 = arith.subi %add3A_493, %sub3A_494 : i32
      %swap3A_496 = arith.index_cast %sub3A_495 : i32 to index
      %swap3A_497 = tpu.vector_load %arg13[%swap3A_496] {strides = array<i32>} : memref<10832xf32, #tpu.memory_space<vmem>>, vector<16xf32>,
      %swap3A_498 = vector.shape_cast %swap3A_497 : vector<16xf32> to vector<16xf32>
      %swap3A_499 = vector.shape_cast %add3A_487 : vector<16xf32> to vector<16xf32>
      tpu.vector_store %arg13[%swap3A_496], %swap3A_499 {strides = array<i32>} : memref<10832xf32, #tpu.memory_space<vmem>>, vector<16xf32>,
      %add3A_500 = arith.constant 4 : i32
      %add3A_501 = arith.addi %add3A_389, %add3A_500 : i32
      %lt3A_502 = arith.constant 128 : i32
      %lt3A_503 = arith.cmpi slt, %add3A_501, %lt3A_502 : i32
      %convert_element_type3A_504 = arith.extui %lt3A_503 : i1 to i32
      %cond3A_505 = arith.constant 0 : i32
      %cond3A_506 = arith.cmpi ne, %convert_element_type3A_504, %cond3A_505 : i32
      scf.if %cond3A_506 {
        %add3A_667 = arith.constant 4 : i32
        %add3A_668 = arith.addi %add3A_389, %add3A_667 : i32
        %dma_start3A_669 = arith.constant 2 : i32
        %dma_start3A_670 = arith.constant 2 : i32
        %dma_start3A_671 = arith.constant 0 : i32
        %dma_start3A_672 = arith.constant 0 : i32
        %dma_start3A_673 = tpu.memref_slice %arg10[%dma_start3A_669, %dma_start3A_671, %dma_start3A_672] : memref<4x1x4096xf32, #tpu.memory_space<vmem>> -> memref<1x1x4096xf32, #tpu.memory_space<vmem>>
        %dma_start3A_674 = tpu.memref_squeeze %dma_start3A_673 : memref<1x1x4096xf32, #tpu.memory_space<vmem>> -> memref<1x4096xf32, #tpu.memory_space<vmem>>
        %dma_start3A_675 = arith.constant 0 : i32
        %dma_start3A_676 = tpu.memref_slice %arg8[%add3A_668, %dma_start3A_675] : memref<128x1xi32, #tpu.memory_space<vmem>> -> memref<1x1xi32, #tpu.memory_space<vmem>>
        %dma_start3A_677 = tpu.memref_squeeze %dma_start3A_676 : memref<1x1xi32, #tpu.memory_space<vmem>> -> memref<1xi32, #tpu.memory_space<vmem>>
        %dma_start3A_678 = arith.constant 0 : i32
        %dma_start3A_679 = arith.constant 0 : i32
        %dma_start3A_680 = tpu.memref_slice %arg4[%dma_start3A_678, %dma_start3A_679] : memref<10000x19756xf32, #tpu.memory_space<hbm>> -> memref<10000x4096xf32, #tpu.memory_space<hbm>>
        %dma_start3A_681 = tpu.memref_slice %arg14[%dma_start3A_670] : memref<4x!tpu.dma_semaphore, #tpu.memory_space<semaphore_mem>> -> memref<1x!tpu.dma_semaphore, #tpu.memory_space<semaphore_mem>>
        %dma_start3A_682 = tpu.memref_squeeze %dma_start3A_681 : memref<1x!tpu.dma_semaphore, #tpu.memory_space<semaphore_mem>> -> memref<!tpu.dma_semaphore, #tpu.memory_space<semaphore_mem>>
        tpu.enqueue_indirect_dma source(%dma_start3A_680 : memref<10000x4096xf32, #tpu.memory_space<hbm>>) target(%dma_start3A_674 : memref<1x4096xf32, #tpu.memory_space<vmem>>) offsets(%dma_start3A_677 : memref<1xi32, #tpu.memory_space<vmem>>) semaphore(%dma_start3A_682 : memref<!tpu.dma_semaphore, #tpu.memory_space<semaphore_mem>>)
      } else {
      }
      %mul3A_507 = arith.constant 4 : i32
      %mul3A_508 = arith.muli %scan3A_144, %mul3A_507 : i32
      %add3A_509 = arith.constant 3 : i32
      %add3A_510 = arith.addi %mul3A_508, %add3A_509 : i32
      %dma_wait3A_511 = arith.constant 3 : i32
      %dma_wait3A_512 = arith.constant 3 : i32
      %dma_wait3A_513 = arith.constant 0 : i32
      %dma_wait3A_514 = arith.constant 0 : i32
      %dma_wait3A_515 = tpu.memref_slice %arg10[%dma_wait3A_511, %dma_wait3A_513, %dma_wait3A_514] : memref<4x1x4096xf32, #tpu.memory_space<vmem>> -> memref<1x1x4096xf32, #tpu.memory_space<vmem>>
      %dma_wait3A_516 = tpu.memref_squeeze %dma_wait3A_515 : memref<1x1x4096xf32, #tpu.memory_space<vmem>> -> memref<1x4096xf32, #tpu.memory_space<vmem>>
      %dma_wait3A_517 = arith.constant 0 : i32
      %dma_wait3A_518 = tpu.memref_slice %arg8[%add3A_510, %dma_wait3A_517] : memref<128x1xi32, #tpu.memory_space<vmem>> -> memref<1x1xi32, #tpu.memory_space<vmem>>
      %dma_wait3A_519 = tpu.memref_squeeze %dma_wait3A_518 : memref<1x1xi32, #tpu.memory_space<vmem>> -> memref<1xi32, #tpu.memory_space<vmem>>
      %dma_wait3A_520 = arith.constant 0 : i32
      %dma_wait3A_521 = arith.constant 0 : i32
      %dma_wait3A_522 = tpu.memref_slice %arg4[%dma_wait3A_520, %dma_wait3A_521] : memref<10000x19756xf32, #tpu.memory_space<hbm>> -> memref<10000x4096xf32, #tpu.memory_space<hbm>>
      %dma_wait3A_523 = tpu.memref_slice %arg14[%dma_wait3A_512] : memref<4x!tpu.dma_semaphore, #tpu.memory_space<semaphore_mem>> -> memref<1x!tpu.dma_semaphore, #tpu.memory_space<semaphore_mem>>
      %dma_wait3A_524 = tpu.memref_squeeze %dma_wait3A_523 : memref<1x!tpu.dma_semaphore, #tpu.memory_space<semaphore_mem>> -> memref<!tpu.dma_semaphore, #tpu.memory_space<semaphore_mem>>
      tpu.wait_indirect_dma semaphore(%dma_wait3A_524 : memref<!tpu.dma_semaphore, #tpu.memory_space<semaphore_mem>>) src(%dma_wait3A_522 : memref<10000x4096xf32, #tpu.memory_space<hbm>>) dst(%dma_wait3A_516 : memref<1x4096xf32, #tpu.memory_space<vmem>>)
      %scan3A_525 = arith.constant 0 : i32
      %scan3A_526 = arith.constant 3 : i32
      %scan3A_527 = arith.constant 0 : i32
      %scan3A_528 = arith.constant 0 : i32
      %scan3A_529 = arith.constant 84 : i32
      %scan3A_530 = arith.addi %scan3A_528, %scan3A_529 : i32
      %scan3A_531 = arith.constant 1 : i32
      scf.for %scan3A_667 = %scan3A_528 to %scan3A_530 step %scan3A_531  : i32 {
        %mul3A_668 = arith.constant 16 : i32
        %mul3A_669 = arith.muli %scan3A_667, %mul3A_668 : i32
        %multiple_of3A = tpu.assume_multiple %mul3A_669, 16 : i32
        %add3A_670 = arith.constant 0 : i32
        %add3A_671 = arith.addi %add3A_670, %multiple_of3A : i32
        %get3A_672 = arith.constant 0 : i32
        %get3A_673 = tpu.memref_slice %arg10[%scan3A_526, %scan3A_527, %get3A_672] : memref<4x1x4096xf32, #tpu.memory_space<vmem>> -> memref<1x1x4096xf32, #tpu.memory_space<vmem>>
        %get3A_674 = tpu.memref_squeeze %get3A_673 : memref<1x1x4096xf32, #tpu.memory_space<vmem>> -> memref<4096xf32, #tpu.memory_space<vmem>>
        %get3A_675 = arith.index_cast %add3A_671 : i32 to index
        %get3A_676 = tpu.vector_load %get3A_674[%get3A_675] {strides = array<i32>} : memref<4096xf32, #tpu.memory_space<vmem>>, vector<16xf32>,
        %get3A_677 = vector.shape_cast %get3A_676 : vector<16xf32> to vector<16xf32>
        %add3A_678 = arith.constant 0 : i32
        %add3A_679 = arith.addi %add3A_678, %multiple_of3A : i32
        %get3A_680 = arith.index_cast %add3A_679 : i32 to index
        %get3A_681 = tpu.vector_load %arg9[%get3A_680] {strides = array<i32>} : memref<4096xf32, #tpu.memory_space<vmem>>, vector<16xf32>,
        %get3A_682 = vector.shape_cast %get3A_681 : vector<16xf32> to vector<16xf32>
        %add3A_683 = arith.addf %get3A_677, %get3A_682 : vector<16xf32>
        %mul3A_684 = arith.constant 5416 : i32
        %mul3A_685 = arith.muli %rem3A_145, %mul3A_684 : i32
        %add3A_686 = arith.constant 4062 : i32
        %add3A_687 = arith.addi %mul3A_685, %add3A_686 : i32
        %add3A_688 = arith.addi %add3A_687, %multiple_of3A : i32
        %swap3A_689 = arith.index_cast %add3A_688 : i32 to index
        %swap3A_690 = tpu.vector_load %arg11[%swap3A_689] {strides = array<i32>} : memref<10832xf32, #tpu.memory_space<vmem>>, vector<16xf32>,
        %swap3A_691 = vector.shape_cast %swap3A_690 : vector<16xf32> to vector<16xf32>
        %swap3A_692 = vector.shape_cast %add3A_683 : vector<16xf32> to vector<16xf32>
        tpu.vector_store %arg11[%swap3A_689], %swap3A_692 {strides = array<i32>} : memref<10832xf32, #tpu.memory_space<vmem>>, vector<16xf32>,
      }
      %scan3A_532 = arith.constant 84 : i32
      %get3A_533 = arith.constant 3 : i32
      %get3A_534 = arith.constant 0 : i32
      %get3A_535 = arith.constant 0 : i32
      %get3A_536 = tpu.memref_slice %arg10[%get3A_533, %get3A_534, %get3A_535] : memref<4x1x4096xf32, #tpu.memory_space<vmem>> -> memref<1x1x4096xf32, #tpu.memory_space<vmem>>
      %get3A_537 = tpu.memref_squeeze %get3A_536 : memref<1x1x4096xf32, #tpu.memory_space<vmem>> -> memref<4096xf32, #tpu.memory_space<vmem>>
      %get3A_538 = arith.constant 1338 : index
      %get3A_539 = tpu.vector_load %get3A_537[%get3A_538] {strides = array<i32>} : memref<4096xf32, #tpu.memory_space<vmem>>, vector<16xf32>,
      %get3A_540 = vector.shape_cast %get3A_539 : vector<16xf32> to vector<16xf32>
      %get3A_541 = arith.constant 1338 : index
      %get3A_542 = tpu.vector_load %arg9[%get3A_541] {strides = array<i32>} : memref<4096xf32, #tpu.memory_space<vmem>>, vector<16xf32>,
      %get3A_543 = vector.shape_cast %get3A_542 : vector<16xf32> to vector<16xf32>
      %add3A_544 = arith.addf %get3A_540, %get3A_543 : vector<16xf32>
      %mul3A_545 = arith.constant 5416 : i32
      %mul3A_546 = arith.muli %rem3A_145, %mul3A_545 : i32
      %add3A_547 = arith.constant 4062 : i32
      %add3A_548 = arith.addi %mul3A_546, %add3A_547 : i32
      %add3A_549 = arith.constant 1354 : i32
      %add3A_550 = arith.addi %add3A_548, %add3A_549 : i32
      %sub3A_551 = arith.constant 16 : i32
      %sub3A_552 = arith.subi %add3A_550, %sub3A_551 : i32
      %swap3A_553 = arith.index_cast %sub3A_552 : i32 to index
      %swap3A_554 = tpu.vector_load %arg11[%swap3A_553] {strides = array<i32>} : memref<10832xf32, #tpu.memory_space<vmem>>, vector<16xf32>,
      %swap3A_555 = vector.shape_cast %swap3A_554 : vector<16xf32> to vector<16xf32>
      %swap3A_556 = vector.shape_cast %add3A_544 : vector<16xf32> to vector<16xf32>
      tpu.vector_store %arg11[%swap3A_553], %swap3A_556 {strides = array<i32>} : memref<10832xf32, #tpu.memory_space<vmem>>, vector<16xf32>,
      %scan3A_557 = arith.constant 0 : i32
      %scan3A_558 = arith.constant 3 : i32
      %scan3A_559 = arith.constant 0 : i32
      %scan3A_560 = arith.constant 0 : i32
      %scan3A_561 = arith.constant 84 : i32
      %scan3A_562 = arith.addi %scan3A_560, %scan3A_561 : i32
      %scan3A_563 = arith.constant 1 : i32
      scf.for %scan3A_667 = %scan3A_560 to %scan3A_562 step %scan3A_563  : i32 {
        %mul3A_668 = arith.constant 16 : i32
        %mul3A_669 = arith.muli %scan3A_667, %mul3A_668 : i32
        %multiple_of3A = tpu.assume_multiple %mul3A_669, 16 : i32
        %add3A_670 = arith.constant 1354 : i32
        %add3A_671 = arith.addi %add3A_670, %multiple_of3A : i32
        %get3A_672 = arith.constant 0 : i32
        %get3A_673 = tpu.memref_slice %arg10[%scan3A_558, %scan3A_559, %get3A_672] : memref<4x1x4096xf32, #tpu.memory_space<vmem>> -> memref<1x1x4096xf32, #tpu.memory_space<vmem>>
        %get3A_674 = tpu.memref_squeeze %get3A_673 : memref<1x1x4096xf32, #tpu.memory_space<vmem>> -> memref<4096xf32, #tpu.memory_space<vmem>>
        %get3A_675 = arith.index_cast %add3A_671 : i32 to index
        %get3A_676 = tpu.vector_load %get3A_674[%get3A_675] {strides = array<i32>} : memref<4096xf32, #tpu.memory_space<vmem>>, vector<16xf32>,
        %get3A_677 = vector.shape_cast %get3A_676 : vector<16xf32> to vector<16xf32>
        %add3A_678 = arith.constant 1354 : i32
        %add3A_679 = arith.addi %add3A_678, %multiple_of3A : i32
        %get3A_680 = arith.index_cast %add3A_679 : i32 to index
        %get3A_681 = tpu.vector_load %arg9[%get3A_680] {strides = array<i32>} : memref<4096xf32, #tpu.memory_space<vmem>>, vector<16xf32>,
        %get3A_682 = vector.shape_cast %get3A_681 : vector<16xf32> to vector<16xf32>
        %add3A_683 = arith.addf %get3A_677, %get3A_682 : vector<16xf32>
        %mul3A_684 = arith.constant 5416 : i32
        %mul3A_685 = arith.muli %rem3A_145, %mul3A_684 : i32
        %add3A_686 = arith.constant 4062 : i32
        %add3A_687 = arith.addi %mul3A_685, %add3A_686 : i32
        %add3A_688 = arith.addi %add3A_687, %multiple_of3A : i32
        %swap3A_689 = arith.index_cast %add3A_688 : i32 to index
        %swap3A_690 = tpu.vector_load %arg12[%swap3A_689] {strides = array<i32>} : memref<10832xf32, #tpu.memory_space<vmem>>, vector<16xf32>,
        %swap3A_691 = vector.shape_cast %swap3A_690 : vector<16xf32> to vector<16xf32>
        %swap3A_692 = vector.shape_cast %add3A_683 : vector<16xf32> to vector<16xf32>
        tpu.vector_store %arg12[%swap3A_689], %swap3A_692 {strides = array<i32>} : memref<10832xf32, #tpu.memory_space<vmem>>, vector<16xf32>,
      }
      %scan3A_564 = arith.constant 84 : i32
      %get3A_565 = arith.constant 3 : i32
      %get3A_566 = arith.constant 0 : i32
      %get3A_567 = arith.constant 0 : i32
      %get3A_568 = tpu.memref_slice %arg10[%get3A_565, %get3A_566, %get3A_567] : memref<4x1x4096xf32, #tpu.memory_space<vmem>> -> memref<1x1x4096xf32, #tpu.memory_space<vmem>>
      %get3A_569 = tpu.memref_squeeze %get3A_568 : memref<1x1x4096xf32, #tpu.memory_space<vmem>> -> memref<4096xf32, #tpu.memory_space<vmem>>
      %get3A_570 = arith.constant 2692 : index
      %get3A_571 = tpu.vector_load %get3A_569[%get3A_570] {strides = array<i32>} : memref<4096xf32, #tpu.memory_space<vmem>>, vector<16xf32>,
      %get3A_572 = vector.shape_cast %get3A_571 : vector<16xf32> to vector<16xf32>
      %get3A_573 = arith.constant 2692 : index
      %get3A_574 = tpu.vector_load %arg9[%get3A_573] {strides = array<i32>} : memref<4096xf32, #tpu.memory_space<vmem>>, vector<16xf32>,
      %get3A_575 = vector.shape_cast %get3A_574 : vector<16xf32> to vector<16xf32>
      %add3A_576 = arith.addf %get3A_572, %get3A_575 : vector<16xf32>
      %mul3A_577 = arith.constant 5416 : i32
      %mul3A_578 = arith.muli %rem3A_145, %mul3A_577 : i32
      %add3A_579 = arith.constant 4062 : i32
      %add3A_580 = arith.addi %mul3A_578, %add3A_579 : i32
      %add3A_581 = arith.constant 1354 : i32
      %add3A_582 = arith.addi %add3A_580, %add3A_581 : i32
      %sub3A_583 = arith.constant 16 : i32
      %sub3A_584 = arith.subi %add3A_582, %sub3A_583 : i32
      %swap3A_585 = arith.index_cast %sub3A_584 : i32 to index
      %swap3A_586 = tpu.vector_load %arg12[%swap3A_585] {strides = array<i32>} : memref<10832xf32, #tpu.memory_space<vmem>>, vector<16xf32>,
      %swap3A_587 = vector.shape_cast %swap3A_586 : vector<16xf32> to vector<16xf32>
      %swap3A_588 = vector.shape_cast %add3A_576 : vector<16xf32> to vector<16xf32>
      tpu.vector_store %arg12[%swap3A_585], %swap3A_588 {strides = array<i32>} : memref<10832xf32, #tpu.memory_space<vmem>>, vector<16xf32>,
      %scan3A_589 = arith.constant 0 : i32
      %scan3A_590 = arith.constant 3 : i32
      %scan3A_591 = arith.constant 0 : i32
      %scan3A_592 = arith.constant 0 : i32
      %scan3A_593 = arith.constant 84 : i32
      %scan3A_594 = arith.addi %scan3A_592, %scan3A_593 : i32
      %scan3A_595 = arith.constant 1 : i32
      scf.for %scan3A_667 = %scan3A_592 to %scan3A_594 step %scan3A_595  : i32 {
        %mul3A_668 = arith.constant 16 : i32
        %mul3A_669 = arith.muli %scan3A_667, %mul3A_668 : i32
        %multiple_of3A = tpu.assume_multiple %mul3A_669, 16 : i32
        %add3A_670 = arith.constant 2708 : i32
        %add3A_671 = arith.addi %add3A_670, %multiple_of3A : i32
        %get3A_672 = arith.constant 0 : i32
        %get3A_673 = tpu.memref_slice %arg10[%scan3A_590, %scan3A_591, %get3A_672] : memref<4x1x4096xf32, #tpu.memory_space<vmem>> -> memref<1x1x4096xf32, #tpu.memory_space<vmem>>
        %get3A_674 = tpu.memref_squeeze %get3A_673 : memref<1x1x4096xf32, #tpu.memory_space<vmem>> -> memref<4096xf32, #tpu.memory_space<vmem>>
        %get3A_675 = arith.index_cast %add3A_671 : i32 to index
        %get3A_676 = tpu.vector_load %get3A_674[%get3A_675] {strides = array<i32>} : memref<4096xf32, #tpu.memory_space<vmem>>, vector<16xf32>,
        %get3A_677 = vector.shape_cast %get3A_676 : vector<16xf32> to vector<16xf32>
        %add3A_678 = arith.constant 2708 : i32
        %add3A_679 = arith.addi %add3A_678, %multiple_of3A : i32
        %get3A_680 = arith.index_cast %add3A_679 : i32 to index
        %get3A_681 = tpu.vector_load %arg9[%get3A_680] {strides = array<i32>} : memref<4096xf32, #tpu.memory_space<vmem>>, vector<16xf32>,
        %get3A_682 = vector.shape_cast %get3A_681 : vector<16xf32> to vector<16xf32>
        %add3A_683 = arith.addf %get3A_677, %get3A_682 : vector<16xf32>
        %mul3A_684 = arith.constant 5416 : i32
        %mul3A_685 = arith.muli %rem3A_145, %mul3A_684 : i32
        %add3A_686 = arith.constant 4062 : i32
        %add3A_687 = arith.addi %mul3A_685, %add3A_686 : i32
        %add3A_688 = arith.addi %add3A_687, %multiple_of3A : i32
        %swap3A_689 = arith.index_cast %add3A_688 : i32 to index
        %swap3A_690 = tpu.vector_load %arg13[%swap3A_689] {strides = array<i32>} : memref<10832xf32, #tpu.memory_space<vmem>>, vector<16xf32>,
        %swap3A_691 = vector.shape_cast %swap3A_690 : vector<16xf32> to vector<16xf32>
        %swap3A_692 = vector.shape_cast %add3A_683 : vector<16xf32> to vector<16xf32>
        tpu.vector_store %arg13[%swap3A_689], %swap3A_692 {strides = array<i32>} : memref<10832xf32, #tpu.memory_space<vmem>>, vector<16xf32>,
      }
      %scan3A_596 = arith.constant 84 : i32
      %get3A_597 = arith.constant 3 : i32
      %get3A_598 = arith.constant 0 : i32
      %get3A_599 = arith.constant 0 : i32
      %get3A_600 = tpu.memref_slice %arg10[%get3A_597, %get3A_598, %get3A_599] : memref<4x1x4096xf32, #tpu.memory_space<vmem>> -> memref<1x1x4096xf32, #tpu.memory_space<vmem>>
      %get3A_601 = tpu.memref_squeeze %get3A_600 : memref<1x1x4096xf32, #tpu.memory_space<vmem>> -> memref<4096xf32, #tpu.memory_space<vmem>>
      %get3A_602 = arith.constant 4046 : index
      %get3A_603 = tpu.vector_load %get3A_601[%get3A_602] {strides = array<i32>} : memref<4096xf32, #tpu.memory_space<vmem>>, vector<16xf32>,
      %get3A_604 = vector.shape_cast %get3A_603 : vector<16xf32> to vector<16xf32>
      %get3A_605 = arith.constant 4046 : index
      %get3A_606 = tpu.vector_load %arg9[%get3A_605] {strides = array<i32>} : memref<4096xf32, #tpu.memory_space<vmem>>, vector<16xf32>,
      %get3A_607 = vector.shape_cast %get3A_606 : vector<16xf32> to vector<16xf32>
      %add3A_608 = arith.addf %get3A_604, %get3A_607 : vector<16xf32>
      %mul3A_609 = arith.constant 5416 : i32
      %mul3A_610 = arith.muli %rem3A_145, %mul3A_609 : i32
      %add3A_611 = arith.constant 4062 : i32
      %add3A_612 = arith.addi %mul3A_610, %add3A_611 : i32
      %add3A_613 = arith.constant 1354 : i32
      %add3A_614 = arith.addi %add3A_612, %add3A_613 : i32
      %sub3A_615 = arith.constant 16 : i32
      %sub3A_616 = arith.subi %add3A_614, %sub3A_615 : i32
      %swap3A_617 = arith.index_cast %sub3A_616 : i32 to index
      %swap3A_618 = tpu.vector_load %arg13[%swap3A_617] {strides = array<i32>} : memref<10832xf32, #tpu.memory_space<vmem>>, vector<16xf32>,
      %swap3A_619 = vector.shape_cast %swap3A_618 : vector<16xf32> to vector<16xf32>
      %swap3A_620 = vector.shape_cast %add3A_608 : vector<16xf32> to vector<16xf32>
      tpu.vector_store %arg13[%swap3A_617], %swap3A_620 {strides = array<i32>} : memref<10832xf32, #tpu.memory_space<vmem>>, vector<16xf32>,
      %add3A_621 = arith.constant 4 : i32
      %add3A_622 = arith.addi %add3A_510, %add3A_621 : i32
      %lt3A_623 = arith.constant 128 : i32
      %lt3A_624 = arith.cmpi slt, %add3A_622, %lt3A_623 : i32
      %convert_element_type3A_625 = arith.extui %lt3A_624 : i1 to i32
      %cond3A_626 = arith.constant 0 : i32
      %cond3A_627 = arith.cmpi ne, %convert_element_type3A_625, %cond3A_626 : i32
      scf.if %cond3A_627 {
        %add3A_667 = arith.constant 4 : i32
        %add3A_668 = arith.addi %add3A_510, %add3A_667 : i32
        %dma_start3A_669 = arith.constant 3 : i32
        %dma_start3A_670 = arith.constant 3 : i32
        %dma_start3A_671 = arith.constant 0 : i32
        %dma_start3A_672 = arith.constant 0 : i32
        %dma_start3A_673 = tpu.memref_slice %arg10[%dma_start3A_669, %dma_start3A_671, %dma_start3A_672] : memref<4x1x4096xf32, #tpu.memory_space<vmem>> -> memref<1x1x4096xf32, #tpu.memory_space<vmem>>
        %dma_start3A_674 = tpu.memref_squeeze %dma_start3A_673 : memref<1x1x4096xf32, #tpu.memory_space<vmem>> -> memref<1x4096xf32, #tpu.memory_space<vmem>>
        %dma_start3A_675 = arith.constant 0 : i32
        %dma_start3A_676 = tpu.memref_slice %arg8[%add3A_668, %dma_start3A_675] : memref<128x1xi32, #tpu.memory_space<vmem>> -> memref<1x1xi32, #tpu.memory_space<vmem>>
        %dma_start3A_677 = tpu.memref_squeeze %dma_start3A_676 : memref<1x1xi32, #tpu.memory_space<vmem>> -> memref<1xi32, #tpu.memory_space<vmem>>
        %dma_start3A_678 = arith.constant 0 : i32
        %dma_start3A_679 = arith.constant 0 : i32
        %dma_start3A_680 = tpu.memref_slice %arg4[%dma_start3A_678, %dma_start3A_679] : memref<10000x19756xf32, #tpu.memory_space<hbm>> -> memref<10000x4096xf32, #tpu.memory_space<hbm>>
        %dma_start3A_681 = tpu.memref_slice %arg14[%dma_start3A_670] : memref<4x!tpu.dma_semaphore, #tpu.memory_space<semaphore_mem>> -> memref<1x!tpu.dma_semaphore, #tpu.memory_space<semaphore_mem>>
        %dma_start3A_682 = tpu.memref_squeeze %dma_start3A_681 : memref<1x!tpu.dma_semaphore, #tpu.memory_space<semaphore_mem>> -> memref<!tpu.dma_semaphore, #tpu.memory_space<semaphore_mem>>
        tpu.enqueue_indirect_dma source(%dma_start3A_680 : memref<10000x4096xf32, #tpu.memory_space<hbm>>) target(%dma_start3A_674 : memref<1x4096xf32, #tpu.memory_space<vmem>>) offsets(%dma_start3A_677 : memref<1xi32, #tpu.memory_space<vmem>>) semaphore(%dma_start3A_682 : memref<!tpu.dma_semaphore, #tpu.memory_space<semaphore_mem>>)
      } else {
      }
      %mul3A_628 = arith.constant 5416 : i32
      %mul3A_629 = arith.muli %rem3A_145, %mul3A_628 : i32
      %mul3A_630 = arith.constant 4 : i32
      %mul3A_631 = arith.muli %mul3A_630, %scan3A_144 : i32
      %add3A_632 = arith.addi %mul3A_2, %mul3A_631 : i32
      %mul3A_633 = arith.constant 1354 : i32
      %mul3A_634 = arith.muli %add3A_632, %mul3A_633 : i32
      %dma_start3A_635 = tpu.memref_slice %arg11[%mul3A_629] : memref<10832xf32, #tpu.memory_space<vmem>> -> memref<5416xf32, #tpu.memory_space<vmem>>
      %dma_start3A_636 = tpu.memref_slice %arg5[%mul3A_634] : memref<5545984xf32, #tpu.memory_space<hbm>> -> memref<5416xf32, #tpu.memory_space<hbm>>
      %dma_start3A_637 = tpu.memref_slice %arg15[%rem3A_145] : memref<2x!tpu.dma_semaphore, #tpu.memory_space<semaphore_mem>> -> memref<1x!tpu.dma_semaphore, #tpu.memory_space<semaphore_mem>>
      %dma_start3A_638 = tpu.memref_squeeze %dma_start3A_637 : memref<1x!tpu.dma_semaphore, #tpu.memory_space<semaphore_mem>> -> memref<!tpu.dma_semaphore, #tpu.memory_space<semaphore_mem>>
      %dma_start3A_639 = tpu.memref_slice %arg5[%mul3A_634] : memref<5545984xf32, #tpu.memory_space<hbm>> -> memref<5416xf32, #tpu.memory_space<hbm>>
      %dma_start3A_640 = tpu.memref_slice %arg11[%mul3A_629] : memref<10832xf32, #tpu.memory_space<vmem>> -> memref<5416xf32, #tpu.memory_space<vmem>>
      tpu.enqueue_dma source(%dma_start3A_640 : memref<5416xf32, #tpu.memory_space<vmem>>) target(%dma_start3A_639 : memref<5416xf32, #tpu.memory_space<hbm>>) target_semaphore(%dma_start3A_638 : memref<!tpu.dma_semaphore, #tpu.memory_space<semaphore_mem>>)
      %mul3A_641 = arith.constant 5416 : i32
      %mul3A_642 = arith.muli %rem3A_145, %mul3A_641 : i32
      %mul3A_643 = arith.constant 4 : i32
      %mul3A_644 = arith.muli %mul3A_643, %scan3A_144 : i32
      %add3A_645 = arith.addi %mul3A_2, %mul3A_644 : i32
      %mul3A_646 = arith.constant 1354 : i32
      %mul3A_647 = arith.muli %add3A_645, %mul3A_646 : i32
      %dma_start3A_648 = tpu.memref_slice %arg12[%mul3A_642] : memref<10832xf32, #tpu.memory_space<vmem>> -> memref<5416xf32, #tpu.memory_space<vmem>>
      %dma_start3A_649 = tpu.memref_slice %arg6[%mul3A_647] : memref<5545984xf32, #tpu.memory_space<hbm>> -> memref<5416xf32, #tpu.memory_space<hbm>>
      %dma_start3A_650 = tpu.memref_slice %arg15[%rem3A_145] : memref<2x!tpu.dma_semaphore, #tpu.memory_space<semaphore_mem>> -> memref<1x!tpu.dma_semaphore, #tpu.memory_space<semaphore_mem>>
      %dma_start3A_651 = tpu.memref_squeeze %dma_start3A_650 : memref<1x!tpu.dma_semaphore, #tpu.memory_space<semaphore_mem>> -> memref<!tpu.dma_semaphore, #tpu.memory_space<semaphore_mem>>
      %dma_start3A_652 = tpu.memref_slice %arg6[%mul3A_647] : memref<5545984xf32, #tpu.memory_space<hbm>> -> memref<5416xf32, #tpu.memory_space<hbm>>
      %dma_start3A_653 = tpu.memref_slice %arg12[%mul3A_642] : memref<10832xf32, #tpu.memory_space<vmem>> -> memref<5416xf32, #tpu.memory_space<vmem>>
      tpu.enqueue_dma source(%dma_start3A_653 : memref<5416xf32, #tpu.memory_space<vmem>>) target(%dma_start3A_652 : memref<5416xf32, #tpu.memory_space<hbm>>) target_semaphore(%dma_start3A_651 : memref<!tpu.dma_semaphore, #tpu.memory_space<semaphore_mem>>)
      %mul3A_654 = arith.constant 5416 : i32
      %mul3A_655 = arith.muli %rem3A_145, %mul3A_654 : i32
      %mul3A_656 = arith.constant 4 : i32
      %mul3A_657 = arith.muli %mul3A_656, %scan3A_144 : i32
      %add3A_658 = arith.addi %mul3A_2, %mul3A_657 : i32
      %mul3A_659 = arith.constant 1354 : i32
      %mul3A_660 = arith.muli %add3A_658, %mul3A_659 : i32
      %dma_start3A_661 = tpu.memref_slice %arg13[%mul3A_655] : memref<10832xf32, #tpu.memory_space<vmem>> -> memref<5416xf32, #tpu.memory_space<vmem>>
      %dma_start3A_662 = tpu.memref_slice %arg7[%mul3A_660] : memref<5545984xf32, #tpu.memory_space<hbm>> -> memref<5416xf32, #tpu.memory_space<hbm>>
      %dma_start3A_663 = tpu.memref_slice %arg15[%rem3A_145] : memref<2x!tpu.dma_semaphore, #tpu.memory_space<semaphore_mem>> -> memref<1x!tpu.dma_semaphore, #tpu.memory_space<semaphore_mem>>
      %dma_start3A_664 = tpu.memref_squeeze %dma_start3A_663 : memref<1x!tpu.dma_semaphore, #tpu.memory_space<semaphore_mem>> -> memref<!tpu.dma_semaphore, #tpu.memory_space<semaphore_mem>>
      %dma_start3A_665 = tpu.memref_slice %arg7[%mul3A_660] : memref<5545984xf32, #tpu.memory_space<hbm>> -> memref<5416xf32, #tpu.memory_space<hbm>>
      %dma_start3A_666 = tpu.memref_slice %arg13[%mul3A_655] : memref<10832xf32, #tpu.memory_space<vmem>> -> memref<5416xf32, #tpu.memory_space<vmem>>
      tpu.enqueue_dma source(%dma_start3A_666 : memref<5416xf32, #tpu.memory_space<vmem>>) target(%dma_start3A_665 : memref<5416xf32, #tpu.memory_space<hbm>>) target_semaphore(%dma_start3A_664 : memref<!tpu.dma_semaphore, #tpu.memory_space<semaphore_mem>>)
    }
    %scan3A_66 = arith.constant 32 : i32
    %add3A_67 = arith.constant 120 : i32
    %add3A_68 = arith.addi %mul3A_2, %add3A_67 : i32
    %mul3A_69 = arith.constant 1354 : i32
    %mul3A_70 = arith.muli %add3A_68, %mul3A_69 : i32
    %dma_wait3A = arith.constant 0 : i32
    %dma_wait3A_71 = arith.constant 0 : i32
    %dma_wait3A_72 = tpu.memref_slice %arg11[%dma_wait3A_71] : memref<10832xf32, #tpu.memory_space<vmem>> -> memref<5416xf32, #tpu.memory_space<vmem>>
    %dma_wait3A_73 = tpu.memref_slice %arg5[%mul3A_70] : memref<5545984xf32, #tpu.memory_space<hbm>> -> memref<5416xf32, #tpu.memory_space<hbm>>
    %dma_wait3A_74 = tpu.memref_slice %arg15[%dma_wait3A] : memref<2x!tpu.dma_semaphore, #tpu.memory_space<semaphore_mem>> -> memref<1x!tpu.dma_semaphore, #tpu.memory_space<semaphore_mem>>
    %dma_wait3A_75 = tpu.memref_squeeze %dma_wait3A_74 : memref<1x!tpu.dma_semaphore, #tpu.memory_space<semaphore_mem>> -> memref<!tpu.dma_semaphore, #tpu.memory_space<semaphore_mem>>
    %dma_wait3A_76 = tpu.memref_slice %arg5[%mul3A_70] : memref<5545984xf32, #tpu.memory_space<hbm>> -> memref<5416xf32, #tpu.memory_space<hbm>>
    %dma_wait3A_77 = arith.constant 0 : i32
    %dma_wait3A_78 = tpu.memref_slice %arg11[%dma_wait3A_77] : memref<10832xf32, #tpu.memory_space<vmem>> -> memref<5416xf32, #tpu.memory_space<vmem>>
    tpu.wait_dma2 semaphore(%dma_wait3A_75 : memref<!tpu.dma_semaphore, #tpu.memory_space<semaphore_mem>>) src(%dma_wait3A_78 : memref<5416xf32, #tpu.memory_space<vmem>>) dst(%dma_wait3A_76 : memref<5416xf32, #tpu.memory_space<hbm>>)
    %add3A_79 = arith.constant 120 : i32
    %add3A_80 = arith.addi %mul3A_2, %add3A_79 : i32
    %mul3A_81 = arith.constant 1354 : i32
    %mul3A_82 = arith.muli %add3A_80, %mul3A_81 : i32
    %dma_wait3A_83 = arith.constant 0 : i32
    %dma_wait3A_84 = arith.constant 0 : i32
    %dma_wait3A_85 = tpu.memref_slice %arg12[%dma_wait3A_84] : memref<10832xf32, #tpu.memory_space<vmem>> -> memref<5416xf32, #tpu.memory_space<vmem>>
    %dma_wait3A_86 = tpu.memref_slice %arg6[%mul3A_82] : memref<5545984xf32, #tpu.memory_space<hbm>> -> memref<5416xf32, #tpu.memory_space<hbm>>
    %dma_wait3A_87 = tpu.memref_slice %arg15[%dma_wait3A_83] : memref<2x!tpu.dma_semaphore, #tpu.memory_space<semaphore_mem>> -> memref<1x!tpu.dma_semaphore, #tpu.memory_space<semaphore_mem>>
    %dma_wait3A_88 = tpu.memref_squeeze %dma_wait3A_87 : memref<1x!tpu.dma_semaphore, #tpu.memory_space<semaphore_mem>> -> memref<!tpu.dma_semaphore, #tpu.memory_space<semaphore_mem>>
    %dma_wait3A_89 = tpu.memref_slice %arg6[%mul3A_82] : memref<5545984xf32, #tpu.memory_space<hbm>> -> memref<5416xf32, #tpu.memory_space<hbm>>
    %dma_wait3A_90 = arith.constant 0 : i32
    %dma_wait3A_91 = tpu.memref_slice %arg12[%dma_wait3A_90] : memref<10832xf32, #tpu.memory_space<vmem>> -> memref<5416xf32, #tpu.memory_space<vmem>>
    tpu.wait_dma2 semaphore(%dma_wait3A_88 : memref<!tpu.dma_semaphore, #tpu.memory_space<semaphore_mem>>) src(%dma_wait3A_91 : memref<5416xf32, #tpu.memory_space<vmem>>) dst(%dma_wait3A_89 : memref<5416xf32, #tpu.memory_space<hbm>>)
    %add3A_92 = arith.constant 120 : i32
    %add3A_93 = arith.addi %mul3A_2, %add3A_92 : i32
    %mul3A_94 = arith.constant 1354 : i32
    %mul3A_95 = arith.muli %add3A_93, %mul3A_94 : i32
    %dma_wait3A_96 = arith.constant 0 : i32
    %dma_wait3A_97 = arith.constant 0 : i32
    %dma_wait3A_98 = tpu.memref_slice %arg13[%dma_wait3A_97] : memref<10832xf32, #tpu.memory_space<vmem>> -> memref<5416xf32, #tpu.memory_space<vmem>>
    %dma_wait3A_99 = tpu.memref_slice %arg7[%mul3A_95] : memref<5545984xf32, #tpu.memory_space<hbm>> -> memref<5416xf32, #tpu.memory_space<hbm>>
    %dma_wait3A_100 = tpu.memref_slice %arg15[%dma_wait3A_96] : memref<2x!tpu.dma_semaphore, #tpu.memory_space<semaphore_mem>> -> memref<1x!tpu.dma_semaphore, #tpu.memory_space<semaphore_mem>>
    %dma_wait3A_101 = tpu.memref_squeeze %dma_wait3A_100 : memref<1x!tpu.dma_semaphore, #tpu.memory_space<semaphore_mem>> -> memref<!tpu.dma_semaphore, #tpu.memory_space<semaphore_mem>>
    %dma_wait3A_102 = tpu.memref_slice %arg7[%mul3A_95] : memref<5545984xf32, #tpu.memory_space<hbm>> -> memref<5416xf32, #tpu.memory_space<hbm>>
    %dma_wait3A_103 = arith.constant 0 : i32
    %dma_wait3A_104 = tpu.memref_slice %arg13[%dma_wait3A_103] : memref<10832xf32, #tpu.memory_space<vmem>> -> memref<5416xf32, #tpu.memory_space<vmem>>
    tpu.wait_dma2 semaphore(%dma_wait3A_101 : memref<!tpu.dma_semaphore, #tpu.memory_space<semaphore_mem>>) src(%dma_wait3A_104 : memref<5416xf32, #tpu.memory_space<vmem>>) dst(%dma_wait3A_102 : memref<5416xf32, #tpu.memory_space<hbm>>)
    %add3A_105 = arith.constant 124 : i32
    %add3A_106 = arith.addi %mul3A_2, %add3A_105 : i32
    %mul3A_107 = arith.constant 1354 : i32
    %mul3A_108 = arith.muli %add3A_106, %mul3A_107 : i32
    %dma_wait3A_109 = arith.constant 1 : i32
    %dma_wait3A_110 = arith.constant 5416 : i32
    %dma_wait3A_111 = tpu.memref_slice %arg11[%dma_wait3A_110] : memref<10832xf32, #tpu.memory_space<vmem>> -> memref<5416xf32, #tpu.memory_space<vmem>>
    %dma_wait3A_112 = tpu.memref_slice %arg5[%mul3A_108] : memref<5545984xf32, #tpu.memory_space<hbm>> -> memref<5416xf32, #tpu.memory_space<hbm>>
    %dma_wait3A_113 = tpu.memref_slice %arg15[%dma_wait3A_109] : memref<2x!tpu.dma_semaphore, #tpu.memory_space<semaphore_mem>> -> memref<1x!tpu.dma_semaphore, #tpu.memory_space<semaphore_mem>>
    %dma_wait3A_114 = tpu.memref_squeeze %dma_wait3A_113 : memref<1x!tpu.dma_semaphore, #tpu.memory_space<semaphore_mem>> -> memref<!tpu.dma_semaphore, #tpu.memory_space<semaphore_mem>>
    %dma_wait3A_115 = tpu.memref_slice %arg5[%mul3A_108] : memref<5545984xf32, #tpu.memory_space<hbm>> -> memref<5416xf32, #tpu.memory_space<hbm>>
    %dma_wait3A_116 = arith.constant 5416 : i32
    %dma_wait3A_117 = tpu.memref_slice %arg11[%dma_wait3A_116] : memref<10832xf32, #tpu.memory_space<vmem>> -> memref<5416xf32, #tpu.memory_space<vmem>>
    tpu.wait_dma2 semaphore(%dma_wait3A_114 : memref<!tpu.dma_semaphore, #tpu.memory_space<semaphore_mem>>) src(%dma_wait3A_117 : memref<5416xf32, #tpu.memory_space<vmem>>) dst(%dma_wait3A_115 : memref<5416xf32, #tpu.memory_space<hbm>>)
    %add3A_118 = arith.constant 124 : i32
    %add3A_119 = arith.addi %mul3A_2, %add3A_118 : i32
    %mul3A_120 = arith.constant 1354 : i32
    %mul3A_121 = arith.muli %add3A_119, %mul3A_120 : i32
    %dma_wait3A_122 = arith.constant 1 : i32
    %dma_wait3A_123 = arith.constant 5416 : i32
    %dma_wait3A_124 = tpu.memref_slice %arg12[%dma_wait3A_123] : memref<10832xf32, #tpu.memory_space<vmem>> -> memref<5416xf32, #tpu.memory_space<vmem>>
    %dma_wait3A_125 = tpu.memref_slice %arg6[%mul3A_121] : memref<5545984xf32, #tpu.memory_space<hbm>> -> memref<5416xf32, #tpu.memory_space<hbm>>
    %dma_wait3A_126 = tpu.memref_slice %arg15[%dma_wait3A_122] : memref<2x!tpu.dma_semaphore, #tpu.memory_space<semaphore_mem>> -> memref<1x!tpu.dma_semaphore, #tpu.memory_space<semaphore_mem>>
    %dma_wait3A_127 = tpu.memref_squeeze %dma_wait3A_126 : memref<1x!tpu.dma_semaphore, #tpu.memory_space<semaphore_mem>> -> memref<!tpu.dma_semaphore, #tpu.memory_space<semaphore_mem>>
    %dma_wait3A_128 = tpu.memref_slice %arg6[%mul3A_121] : memref<5545984xf32, #tpu.memory_space<hbm>> -> memref<5416xf32, #tpu.memory_space<hbm>>
    %dma_wait3A_129 = arith.constant 5416 : i32
    %dma_wait3A_130 = tpu.memref_slice %arg12[%dma_wait3A_129] : memref<10832xf32, #tpu.memory_space<vmem>> -> memref<5416xf32, #tpu.memory_space<vmem>>
    tpu.wait_dma2 semaphore(%dma_wait3A_127 : memref<!tpu.dma_semaphore, #tpu.memory_space<semaphore_mem>>) src(%dma_wait3A_130 : memref<5416xf32, #tpu.memory_space<vmem>>) dst(%dma_wait3A_128 : memref<5416xf32, #tpu.memory_space<hbm>>)
    %add3A_131 = arith.constant 124 : i32
    %add3A_132 = arith.addi %mul3A_2, %add3A_131 : i32
    %mul3A_133 = arith.constant 1354 : i32
    %mul3A_134 = arith.muli %add3A_132, %mul3A_133 : i32
    %dma_wait3A_135 = arith.constant 1 : i32
    %dma_wait3A_136 = arith.constant 5416 : i32
    %dma_wait3A_137 = tpu.memref_slice %arg13[%dma_wait3A_136] : memref<10832xf32, #tpu.memory_space<vmem>> -> memref<5416xf32, #tpu.memory_space<vmem>>
    %dma_wait3A_138 = tpu.memref_slice %arg7[%mul3A_134] : memref<5545984xf32, #tpu.memory_space<hbm>> -> memref<5416xf32, #tpu.memory_space<hbm>>
    %dma_wait3A_139 = tpu.memref_slice %arg15[%dma_wait3A_135] : memref<2x!tpu.dma_semaphore, #tpu.memory_space<semaphore_mem>> -> memref<1x!tpu.dma_semaphore, #tpu.memory_space<semaphore_mem>>
    %dma_wait3A_140 = tpu.memref_squeeze %dma_wait3A_139 : memref<1x!tpu.dma_semaphore, #tpu.memory_space<semaphore_mem>> -> memref<!tpu.dma_semaphore, #tpu.memory_space<semaphore_mem>>
    %dma_wait3A_141 = tpu.memref_slice %arg7[%mul3A_134] : memref<5545984xf32, #tpu.memory_space<hbm>> -> memref<5416xf32, #tpu.memory_space<hbm>>
    %dma_wait3A_142 = arith.constant 5416 : i32
    %dma_wait3A_143 = tpu.memref_slice %arg13[%dma_wait3A_142] : memref<10832xf32, #tpu.memory_space<vmem>> -> memref<5416xf32, #tpu.memory_space<vmem>>
    tpu.wait_dma2 semaphore(%dma_wait3A_140 : memref<!tpu.dma_semaphore, #tpu.memory_space<semaphore_mem>>) src(%dma_wait3A_143 : memref<5416xf32, #tpu.memory_space<vmem>>) dst(%dma_wait3A_141 : memref<5416xf32, #tpu.memory_space<hbm>>)
    return
  }
}

</mosaic_0001>

<sc_bundles>
// kernel: _sc1_call.3.cloned.1.call-start
scs
__scs_entry_jumppad:
0x0: {  	(pc) =	sbr.rel $0x88, $3  }
0x1: {  	(tag) =	ssettag $0x0;
	lr =	simm.s32 $0x1  }
0x2: {  	[smem:$0x3F9E] =	sst lr;
	_ =	strace $0xD0000000  }
0x3: {  	_ = 	snop  }
0x4: {  	_ = 	snop  }
0x5: {  	_ = 	snop  }
0x6: {  	_ = 	snop  }
0x7: {  	_ = 	snop  }
__scs_overlays_trampoline_lowered:
0x8: {  	[smem:$0x3FAD] =	sst s0  }
0x9: {  	[smem:$0x3FAE] =	sst s1  }
0xa: {  	[smem:$0x3FAF] =	sst s2  }
0xb: {  	[smem:$0x3FB0] =	sst s3  }
0xc: {  	[smem:$0x3FB1] =	sst s4  }
0xd: {  	[smem:$0x3FB2] =	sst s5  }
0xe: {  	[smem:$0x3FB3] =	sst s6  }
0xf: {  	[smem:$0x3FB4] =	sst s7  }
0x10: {  	[smem:$0x3FB5] =	sst s8  }
0x11: {  	[smem:$0x3FB6] =	sst s9;
	s0 =	simm.s32 @!p0 $0x0  }
0x12: {  	s1 =	sld [smem:$0x3F9C];
	s0 =	simm.s32 @p0 $0x1  }
0x13: {  	[smem:$0x3FB7] =	sst s0;
	s0 =	simm.s32 @!p1 $0x0  }
0x14: {  	s2 =	sld [smem:$0x3F9B];
	s0 =	simm.s32 @p1 $0x1  }
0x15: {  	[smem:$0x3FB8] =	sst s0;
	s0 =	simm.s32 @!p2 $0x0  }
0x16: {  	s3 =	sld [smem:$0x3FDB];
	s0 =	simm.s32 @p2 $0x1  }
0x17: {  	s4 =	simm.s32 $0x1BF5;
	[smem:$0x3FBA] =	sst s0  }
0x18: {  	s0 =	sld [smem:$0x3F9D];
	_ =	swait.ge [sflag:s4], $0x0  }
0x19: {  	s7 =	sld [smem:$0x3F9E]  }
0x1a: {  	s8 =	sadd.s32 $0xFFFFE003, lr  }
0x1b: {  	s9 =	sadd.s32 $0xFFFFFEF7, lr;
	s5 =	simm.s32 $0xFFFFFFFF;
	p2 =	slt.u32 s8, $0xFFFFF086  }
0x1c: {  	p1 =	slt.u32 s9, $0xF7A;
	s5 =	simm.s32 @!p2 $0x0  }
0x1d: {  	s5 =	simm.s32 @p1 $0x1;
	p0 =	seq.s32 s7, s2  }
0x1e: {  	s7 =	smul.u32 @!p0 $0xF7A, s2;
	p2 =	seq.s32 @!p0 s5, $0x0  }
0x1f: {  	s9 =	smul.u32 $0xF7A, s1;
	s8 =	simm.s32 @!p0 $0x1BF5;
	p2 =	por !p2, p0  }
0x20: {  	[sflag:s8] =	ssyncset.s32 @!p0 $0xFFFFF086;
	s6 =	sadd.s32 @!p0 s3, s7;
	s7 =	simm.s32 @!p0 $0x108  }
0x21: {  	s3 =	sadd.s32 s3, s9;
	s6 =	sadd.s32 @!p0 $0x88, s6;
	s7 =	simm.s32 @p2 $0x1082  }
0x22: {  	[simem:s7], [sflag:s8] =	dma.local @!p0 [hbm:s6], $0xF7A  }
0x23: {  	s9 =	sor.u32 $0xD0000000, s2;
	s6 =	simm.s32 $0x108;
	_ =	swait.ge @!p0 [sflag:s8], $0x0  }
0x24: {  	s3 =	sadd.s32 $0x88, s3;
	s6 =	simm.s32 @!p1 $0x1082;
	[sflag:s4] =	ssyncset.s32 $0xFFFFF086  }
0x25: {  	[simem:s6], [sflag:s4] =	dma.local [hbm:s3], $0xF7A  }
0x26: {  	[smem:$0x3F9E] =	sst s1;
	(tag) =	ssettag s2;
	_ =	strace s9  }
0x27: {  	s1 =	sld [smem:$0x3FAE]  }
0x28: {  	s2 =	sld [smem:$0x3FAF]  }
0x29: {  	s4 =	sld [smem:$0x3FB1]  }
0x2a: {  	p0 =	seq.s32 s5, $0x0;
	s5 =	sld [smem:$0x3FB2]  }
0x2b: {  	s6 =	sld [smem:$0x3FB3]  }
0x2c: {  	s7 =	sld [smem:$0x3FB4]  }
0x2d: {  	s3 =	simm.s32 $0x108;
	s8 =	sld [smem:$0x3FB5]  }
0x2e: {  	s3 =	simm.s32 @!p0 $0x1082;
	s9 =	sld [smem:$0x3FB6]  }
0x2f: {  	lr =	sadd.s32 s0, s3;
	s0 =	sld [smem:$0x3FAD]  }
0x30: {  	s3 =	sld [smem:$0x3FB0]  }
0x31: {  	[smem:$0x3FB9] =	sst s10  }
0x32: {  	s10 =	sld [smem:$0x3FB7];
	_ =	sdelay $0x3  }
0x33: {  	p0 =	seq.s32 s10, $0x1;
	s10 =	sld [smem:$0x3FB9];
	_ =	sdelay $0x3  }
0x34: {  	[smem:$0x3FB9] =	sst s10  }
0x35: {  	s10 =	sld [smem:$0x3FB8];
	_ =	sdelay $0x3  }
0x36: {  	p1 =	seq.s32 s10, $0x1;
	s10 =	sld [smem:$0x3FB9];
	_ =	sdelay $0x3  }
0x37: {  	[smem:$0x3FB9] =	sst s10  }
0x38: {  	s10 =	sld [smem:$0x3FBA]  }
0x39: {  	_ = 	snop;
	(pc) =	sbr.ind lr, $3  }
0x3a: {  	_ = 	snop  }
0x3b: {  	_ = 	snop  }
0x3c: {  	p2 =	seq.s32 s10, $0x1;
	s10 =	sld [smem:$0x3FB9]  }
0x3d: {  	_ =	shalt  }
0x3e: {  	_ =	shalt  }
0x3f: {  	_ =	shalt  }
0x40: {  	_ =	shalt  }
0x41: {  	_ =	shalt  }
0x42: {  	_ =	shalt  }
0x43: {  	_ =	shalt  }
0x44: {  	_ =	shalt  }
0x45: {  	_ =	shalt  }
0x46: {  	_ =	shalt  }
0x47: {  	_ =	shalt  }
0x48: {  	_ =	shalt  }
0x49: {  	_ =	shalt  }
0x4a: {  	_ =	shalt  }
0x4b: {  	_ =	shalt  }
0x4c: {  	_ =	shalt  }
0x4d: {  	_ =	shalt  }
0x4e: {  	_ =	shalt  }
0x4f: {  	_ =	shalt  }
0x50: {  	_ =	shalt  }
0x51: {  	_ =	shalt  }
0x52: {  	_ =	shalt  }
0x53: {  	_ =	shalt  }
0x54: {  	_ =	shalt  }
0x55: {  	_ =	shalt  }
0x56: {  	_ =	shalt  }
0x57: {  	_ =	shalt  }
0x58: {  	_ =	shalt  }
0x59: {  	_ =	shalt  }
0x5a: {  	_ =	shalt  }
0x5b: {  	_ =	shalt  }
0x5c: {  	_ =	shalt  }
0x5d: {  	_ =	shalt  }
0x5e: {  	_ =	shalt  }
0x5f: {  	_ =	shalt  }
0x60: {  	_ =	shalt  }
0x61: {  	_ =	shalt  }
0x62: {  	_ =	shalt  }
0x63: {  	_ =	shalt  }
0x64: {  	_ =	shalt  }
0x65: {  	_ =	shalt  }
0x66: {  	_ =	shalt  }
0x67: {  	_ =	shalt  }
0x68: {  	_ =	shalt  }
0x69: {  	_ =	shalt  }
0x6a: {  	_ =	shalt  }
0x6b: {  	_ =	shalt  }
0x6c: {  	_ =	shalt  }
0x6d: {  	_ =	shalt  }
0x6e: {  	_ =	shalt  }
0x6f: {  	_ =	shalt  }
0x70: {  	_ =	shalt  }
0x71: {  	_ =	shalt  }
0x72: {  	_ =	shalt  }
0x73: {  	_ =	shalt  }
0x74: {  	_ =	shalt  }
0x75: {  	_ =	shalt  }
0x76: {  	_ =	shalt  }
0x77: {  	_ =	shalt  }
0x78: {  	_ =	shalt  }
0x79: {  	_ =	shalt  }
0x7a: {  	_ =	shalt  }
0x7b: {  	_ =	shalt  }
0x7c: {  	_ =	shalt  }
0x7d: {  	_ =	shalt  }
0x7e: {  	_ =	shalt  }
0x7f: {  	_ =	shalt  }
0x80: {  	_ =	shalt  }
0x81: {  	_ =	shalt  }
0x82: {  	_ =	shalt  }
0x83: {  	_ =	shalt  }
0x84: {  	_ =	shalt  }
0x85: {  	_ =	shalt  }
0x86: {  	_ =	shalt  }
0x87: {  	_ =	shalt  }
.Lfunc_end0:
.L_simem_size_0:
called_computation_lowered:
.L_overlay_start_0:
0x88: {  	s2 =	sld [smem:$0x3FD9]  }
0x89: {  	s3 =	sld [smem:$0x3FFE];
	_ =	sdelay $0x1  }
0x8a: {  	s1 =	srdreg.scid  }
0x8b: {  	s0 =	sand.u32 $0x1, s1  }
0x8c: {  	s14 =	sshll.u32 s0, $0xA;
	s2 =	sadd.s32 s3, s2  }
0x8d: {  	s2 =	sadd.s32 s2, s14  }
0x8e: {  	[smem:$0x3FC5] =	sst s2  }
0x8f: {  	_ = 	snop  }
0x90: {  	s2 =	sld [smem:$0x3FD0];
	_ =	sdelay $0x1  }
0x91: {  	s15 =	sld [smem:$0x3FC8]  }
0x92: {  	s5 =	simm.s32 $0xA;
	s6 =	simm.s32 $0x10;
	s4 =	sld [smem:$0x3FC7]  }
0x93: {  	[smem:s6], [sflag:s5] =	dma.local [hbm:s2], $0x1  }
0x94: {  	_ =	swait.eq [sflag:s5], $0x1  }
0x95: {  	s16 =	sld [smem:$0x10];
	[sflag:s5] =	ssyncset.done $0x0  }
0x96: {  	s17 =	sld [smem:$0x11];
	[sflag:s5] =	ssyncadd.s32 $0xFFFFFFFF  }
0x97: {  	s18 =	sld [smem:$0x12];
	(tm) =	ssettm $0x1  }
0x98: {  	s7 =	sld [smem:$0x3FFB];
	_ =	sdelay $0x3  }
0x99: {  	_ =	strace s7  }
0x9a: {  	s7 =	sld [smem:$0x3FFC];
	_ =	sdelay $0x3  }
0x9b: {  	_ =	strace s7  }
0x9c: {  	s7 =	sld [smem:$0x3FFD];
	_ =	sdelay $0x3  }
0x9d: {  	_ =	strace s7  }
0x9e: {  	_ =	strace $0x8FFFFFFF  }
0x9f: {  	s19 =	sld [smem:$0x3FDB];
	_ =	sdelay $0x1  }
0xa0: {  	s8 =	simm.s32 $_scs_section_size  }
0xa1: {  	s9 =	simm.s32 $_size__tile_overlayer_lowered;
	s10 =	simm.s32 $_tile_overlayer_lowered  }
0xa2: {  	s22 =	simm.s32 $0x1BFF;
	s21 =	sshll.u32 s10, $0x1;
	s7 =	sadd.s32 s8, s19  }
0xa3: {  	s11 =	simm.s32 $0x0;
	s20 =	sshll.u32 s9, $0x1;
	s9 =	sadd.s32 s21, s7  }
0xa4: {  	[timem:s11], [sflag:s22] =	dma.local [hbm:s9], s20  }
0xa5: {  	_ =	swait.ge [sflag:s22], s20  }
0xa6: {  	s8 =	ssub.s32 $0x0, s20;
	[sflag:s22] =	ssyncset.done $0x0  }
0xa7: {  	[sflag:s22] =	ssyncadd.s32 s8;
	_ =	sdelay $0x1  }
0xa8: {  	s23 =	simm.s32 $0x1B8B  }
0xa9: {  	_ =	swait.ge [sflag:s23], $0x1  }
0xaa: {  	[sflag:s23] =	ssyncset.done $0x0  }
0xab: {  	s25 =	simm.s32 $0x1B8E;
	s24 =	sld [smem:$0x3FFE];
	[sflag:s23] =	ssyncadd.s32 $0xFFFFFFFF  }
0xac: {  	s26 =	simm.s32 $execute0_lowered;
	[smem:$0x3FD2] =	sst s25  }
0xad: {  	s9 =	sshll.u32 s26, $0x1;
	_ =	strace $0x80000046;
	[dreg:$0x1] =	wrdreg $0xFFFFFFFF  }
0xae: {  	s28 =	simm.s32 $_size_execute0_lowered;
	s7 =	sadd.s32 s7, s9;
	[dreg:$0x0] =	wrdreg $0x0  }
0xaf: {  	s9 =	sshll.u32 s28, $0x1;
	[dreg:$0x2] =	wrdreg s7  }
0xb0: {  	[dreg:$0x3] =	wrdreg s9  }
0xb1: {  	[dreg:$0x4] =	wrdreg $0xC0  }
0xb2: {  	_ =	task [dreg:s11], $0x5FFFF  }
0xb3: {  	[dreg:$0x1] =	wrdreg $0xFFFFFFFF  }
0xb4: {  	[dreg:$0x0] =	wrdreg $0x60  }
0xb5: {  	[dreg:$0x2] =	wrdreg s24  }
0xb6: {  	[dreg:$0x3] =	wrdreg s15  }
0xb7: {  	[dreg:$0x4] =	wrdreg s4  }
0xb8: {  	[dreg:$0x5] =	wrdreg s16  }
0xb9: {  	[dreg:$0x6] =	wrdreg s17  }
0xba: {  	[dreg:$0x7] =	wrdreg s18  }
0xbb: {  	[dreg:$0x8] =	wrdreg $0x9  }
0xbc: {  	_ =	task.clear_ibuf [dreg:s11], $0x9FFFF;
	_ =	strace $0x90000046  }
0xbd: {  	s29 =	simm.s32 $0x9;
	_ =	strace $0x80000048  }
0xbe: {  	_ =	swait.ge [sflag:s29], $0x1  }
0xbf: {  	[sflag:s29] =	ssyncadd.s32 $0xFFFFFFFF  }
0xc0: {  	_ =	strace $0x90000048  }
0xc1: {  	_ =	sfence  }
0xc2: {  	s30 =	sld [smem:$0x0];
	_ =	sdelay $0x2  }
0xc3: {  	s31 =	sshll.u32 s1, $0xD;
	s1 =	sshrl.u32 s1, $0x2  }
0xc4: {  	s3 =	sand.u32 $0x4000, s31;
	s1 =	sadd.s32 s1, s30  }
0xc5: {  	s0 =	sor.u32 s3, s0;
	s1 =	sshll.u32 s1, $0x11  }
0xc6: {  	s0 =	sor.u32 s1, s0  }
0xc7: {  	s0 =	sadd.s32 $0x8F2B, s0  }
0xc8: {  	[sflag:s0] =	ssyncadd.remote.s32 $0x1  }
0xc9: {  	_ =	sfence.sel $0xFFFF  }
0xca: {  	[dreg:$0x0] =	wrdreg $0xFFFFFFFF;
	(pc) =	sbr.abs _section_cstart, $3  }
0xcb: {  	[dreg:$0x1] =	wrdreg $0xFFFFFFFF  }
0xcc: {  	_ =	task.clear_ibuf [dreg:s11], $0x2FFFF;
	_ =	strace $0x9FFFFFFF  }
0xcd: {  	(tm) =	ssettm $0x7FFFFFFF  }
tec
execute0_lowered:
.L_overlay_start_1:
0x0: {  	(tag) =	ssettag $0x1  }
0x1: {  	s0 =	rddreg [dreg:$0x0]  }
0x2: {  	s2 =	rddreg [dreg:$0x2]  }
0x3: {  	s4 =	rddreg [dreg:$0x3]  }
0x4: {  	s5 =	rddreg [dreg:$0x4]  }
0x5: {  	s6 =	rddreg [dreg:$0x5];
	s1 =	srdreg.scid  }
0x6: {  	s3 =	stileid.u32;
	s7 =	simm.s32 $0x0;
	s22 =	simm.s32 $0x1  }
0x7: {  	s23 =	simm.s32 $0x2;
	s1 =	sand.u32 $0x1, s1;
	s3 =	sshll.u32 s3, $0x1  }
0x8: {  	s24 =	simm.s32 $0x3;
	s25 =	simm.s32 $0x4;
	s3 =	sor.u32 s1, s3  }
0x9: {  	s28 =	simm.s32 $0x6;
	s1 =	ssub.s32 $0x2, s1;
	s8 =	sshll.u32 s3, $0xB  }
0xa: {  	s29 =	simm.s32 $0x0;
	s9 =	sshrl.u32 s1, $0x1;
	s0 =	sadd.s32 s8, s0  }
0xb: {  	[smem:$0x7FF] =	sst s7;
	s1 =	ssub.s32 s1, s9;
	s0 =	sadd.s32 $0x600, s0  }
0xc: {  	v1 =	vlaneseq.u32;
	_ =	strace $0x80000047;
	s31 =	smax.u32 s1, $0x1;
	[dreg:$0x7] =	wrdreg s0  }
0xd: {  	v0 =	vimm.s32 $0x0;
	vm0 =	vmmov $0xffff;
	s10 =	sadd.s32 $0x800, s2;
	v1 =	vmul.u32 $0x8, v1;
	s8 =	sshll.u32 s3, $0x7;
	[dreg:$0x8] =	wrdreg s31  }
.LBB2_1:
0xe: {  	s0 =	rddreg [dreg:$0x7];
	s1 =	simm.s32 $0x7  }
0xf: {  	[tilespmem:s7], [sflag:$0x7] =	stream.linear.gather [hbm4b:s0+s7], $0x4000, $0x38;
	[tilespmem:$0x10F80] =	vst v63  }
0x10: {  	_ =	swait.ge [sflag:s1], $0x4000  }
0x11: {  	[sflag:s1] =	ssyncset.done $0x0  }
0x12: {  	[sflag:s1] =	ssyncadd.s32 $0xFFFFC000  }
0x13: {  	s3 =	simm.s32 $0x4000;
	s15 =	rddreg [dreg:$0x1]  }
0x14: {  	[tilespmem:s3], [sflag:$0x7] =	stream.linear.gather [hbm4b:s15+s7], $0x1000, $0x38;
	[tilespmem:$0x10F80] =	vst v63  }
0x15: {  	_ =	swait.ge [sflag:s1], $0x1000  }
0x16: {  	[sflag:s1] =	ssyncset.done $0x0  }
0x17: {  	[sflag:s1] =	ssyncadd.s32 $0xFFFFF000  }
0x18: {  	v2 =	vld.msk [tilespmem:$0x0], $0x1;
	_ =	sdelay $0x4  }
0x19: {  	v3 =	vshrl.u32 v2, $0x3  }
0x1a: {  	v3 =	vmul.u32 $0x4D8, v3  }
0x1b: {  	v2 =	vand.u32 $0x7, v2  }
0x1c: {  	v2 =	vor.u32 v2, v3  }
0x1d: {  	v2 =	vperm.xlane v2, v0;
	_ =	sdelay $0x1  }
0x1e: {  	v2 =	vadd.s32 v1, v2;
	_ =	sdelay $0x3  }
0x1f: {  	s16 =	simm.s32 $0x5000  }
0x20: {  	[tilespmem:s16], [sflag:$0x1] =	stream.indirect_vreg.gather [hbm4b:s2+s7], $0x80, v2, vm0, $0xb8;
	[tilespmem:$0x10F80] =	vst v63  }
0x21: {  	s17 =	simm.s32 $0x5800  }
0x22: {  	[tilespmem:s17], [sflag:$0x1] =	stream.indirect_vreg.gather [hbm4b:s10+s7], $0x80, v2, vm0, $0xb8;
	[tilespmem:$0x10F80] =	vst v63  }
0x23: {  	v2 =	vld.msk [tilespmem:$0x80], $0x1;
	_ =	sdelay $0x4  }
0x24: {  	v3 =	vshrl.u32 v2, $0x3  }
0x25: {  	v3 =	vmul.u32 $0x4D8, v3  }
0x26: {  	v2 =	vand.u32 $0x7, v2  }
0x27: {  	v2 =	vor.u32 v2, v3  }
0x28: {  	v2 =	vperm.xlane v2, v0;
	_ =	sdelay $0x1  }
0x29: {  	v2 =	vadd.s32 v1, v2;
	_ =	sdelay $0x3  }
0x2a: {  	s18 =	simm.s32 $0x6000  }
0x2b: {  	[tilespmem:s18], [sflag:$0x2] =	stream.indirect_vreg.gather [hbm4b:s2+s7], $0x80, v2, vm0, $0xb8;
	[tilespmem:$0x10F80] =	vst v63  }
0x2c: {  	s19 =	simm.s32 $0x6800  }
0x2d: {  	[tilespmem:s19], [sflag:$0x2] =	stream.indirect_vreg.gather [hbm4b:s10+s7], $0x80, v2, vm0, $0xb8;
	[tilespmem:$0x10F80] =	vst v63  }
0x2e: {  	v2 =	vld.msk [tilespmem:$0x100], $0x1;
	_ =	sdelay $0x4  }
0x2f: {  	v3 =	vshrl.u32 v2, $0x3  }
0x30: {  	v3 =	vmul.u32 $0x4D8, v3  }
0x31: {  	v2 =	vand.u32 $0x7, v2  }
0x32: {  	v2 =	vor.u32 v2, v3  }
0x33: {  	v2 =	vperm.xlane v2, v0;
	_ =	sdelay $0x1  }
0x34: {  	v2 =	vadd.s32 v1, v2;
	_ =	sdelay $0x3  }
0x35: {  	s20 =	simm.s32 $0x7000  }
0x36: {  	[tilespmem:s20], [sflag:$0x3] =	stream.indirect_vreg.gather [hbm4b:s2+s7], $0x80, v2, vm0, $0xb8;
	[tilespmem:$0x10F80] =	vst v63  }
0x37: {  	s21 =	simm.s32 $0x7800  }
0x38: {  	[tilespmem:s21], [sflag:$0x3] =	stream.indirect_vreg.gather [hbm4b:s10+s7], $0x80, v2, vm0, $0xb8;
	[tilespmem:$0x10F80] =	vst v63  }
0x39: {  	v2 =	vld.msk [tilespmem:$0x180], $0x1;
	_ =	sdelay $0x4  }
0x3a: {  	v3 =	vshrl.u32 v2, $0x3  }
0x3b: {  	v3 =	vmul.u32 $0x4D8, v3  }
0x3c: {  	v2 =	vand.u32 $0x7, v2  }
0x3d: {  	v2 =	vor.u32 v2, v3  }
0x3e: {  	v2 =	vperm.xlane v2, v0;
	_ =	sdelay $0x1  }
0x3f: {  	v2 =	vadd.s32 v1, v2;
	_ =	sdelay $0x3  }
0x40: {  	s26 =	simm.s32 $0x8000  }
0x41: {  	[tilespmem:s26], [sflag:$0x4] =	stream.indirect_vreg.gather [hbm4b:s2+s7], $0x80, v2, vm0, $0xb8;
	[tilespmem:$0x10F80] =	vst v63  }
0x42: {  	s31 =	simm.s32 $0x8800;
	p0 =	por $0x0, $0x0;
	s30 =	simm.s32 $0x0  }
0x43: {  	[tilespmem:s31], [sflag:$0x4] =	stream.indirect_vreg.gather [hbm4b:s10+s7], $0x80, v2, vm0, $0xb8;
	[tilespmem:$0x10F80] =	vst v63  }
.LBB2_2:
0x44: {  	s31 =	sand.u32 $0x1, s30;
	p1 =	slt.u32 s30, $0x2  }
0x45: {  	s0 =	sadd.s32 @!p1 $0x5, s31  }
0x46: {  	_ =	swait.ge @!p1 [sflag:s0], $0x1528  }
0x47: {  	[sflag:s0] =	ssyncset.done @!p1 $0x0  }
0x48: {  	s1 =	simm.s32 $0x1;
	[sflag:s0] =	ssyncadd.s32 @!p1 $0xFFFFEAD8  }
0x49: {  	s1 =	simm.s32 @!p0 $0x0;
	_ =	swait.ge @!p1 [sflag:s0], $0x1528  }
0x4a: {  	s1 =	smul.u32 $0x54A0, s1;
	[sflag:s0] =	ssyncset.done @!p1 $0x0  }
0x4b: {  	[sflag:s0] =	ssyncadd.s32 @!p1 $0xFFFFEAD8  }
0x4c: {  	s3 =	simm.s32 $0x0;
	s15 =	sshrl.u32 s1, $0x2;
	_ =	swait.ge @!p1 [sflag:s0], $0x1528  }
0x4d: {  	s1 =	sadd.s32 $0xF4DE, s15;
	s13 =	sadd.s32 $0xCA5E, s15;
	[sflag:s0] =	ssyncset.done @!p1 $0x0  }
0x4e: {  	s14 =	sadd.s32 $0x9FDE, s15;
	s19 =	sadd.s32 $0xEF94, s15;
	[sflag:s0] =	ssyncadd.s32 @!p1 $0xFFFFEAD8  }
0x4f: {  	s20 =	sadd.s32 $0xC514, s15;
	s21 =	sadd.s32 $0x9A94, s15;
	_ =	swait.ge [sflag:s22], $0x1000  }
0x50: {  	s9 =	sadd.s32 $0xEA4A, s15;
	s11 =	sadd.s32 $0xBFCA, s15;
	[sflag:s22] =	ssyncset.done $0x0  }
0x51: {  	s12 =	sadd.s32 $0x954A, s15;
	s17 =	sadd.s32 $0x9000, s15;
	[sflag:s22] =	ssyncadd.s32 $0xFFFFF000  }
0x52: {  	s16 =	sadd.s32 $0xE500, s15;
	v2 =	vmov s17;
	s0 =	sadd.s32 $0xBA80, s15;
	s15 =	simm.s32 $0x40;
	v3 =	vld [tilespmem:s3+$0x4000]  }
.LBB2_3:
0x53: {  	p1 =	sne.s32 s15, $0x14C0;
	v4 =	vld [tilespmem:s3+$0x5000];
	_ =	sdelay $0x3  }
.Ltmp0:
0x54: {  	(pc) =	sbr.rel @p1 .LBB2_3-.Ltmp0, $3  }
0x55: {  	v3 =	vadd.f32 v3, v4;
	_ =	sdelay $0x1  }
0x56: {  	[tilespmem:v2+s3+$0x0 ss:$0x1] =	vst.idx.msk $0xffff, v3;
	s3 =	sshra.s32 s15, $0x2  }
0x57: {  	s15 =	sadd.s32 $0x40, s15;
	v3 =	vld [tilespmem:s3+$0x4000]  }
0x58: {  	v4 =	vld [tilespmem:s3+$0x5000];
	_ =	sdelay $0x4  }
0x59: {  	v3 =	vadd.f32 v3, v4;
	_ =	sdelay $0x1  }
0x5a: {  	[tilespmem:v2+s3+$0x0 ss:$0x1] =	vst.idx.msk $0xffff, v3  }
0x5b: {  	v2 =	vld [tilespmem:$0x553A]  }
0x5c: {  	v3 =	vld [tilespmem:$0x453A];
	_ =	sdelay $0x4  }
0x5d: {  	s15 =	smul.u32 $0x1528, s31;
	v2 =	vadd.f32 v3, v2;
	_ =	sdelay $0x1  }
0x5e: {  	s18 =	simm.s32 $0x0;
	[tilespmem:s15+$0x953A] =	vst v2  }
0x5f: {  	s17 =	sadd.s32 $0x53A, s15;
	s3 =	sadd.s32 $0xBA80, s15;
	v2 =	vmov s0;
	s0 =	simm.s32 $0x40;
	v3 =	vld [tilespmem:s18+$0x454A]  }
.LBB2_5:
0x60: {  	p1 =	sne.s32 s0, $0x14C0;
	v4 =	vld [tilespmem:s18+$0x554A];
	_ =	sdelay $0x3  }
.Ltmp1:
0x61: {  	(pc) =	sbr.rel @p1 .LBB2_5-.Ltmp1, $3  }
0x62: {  	v3 =	vadd.f32 v3, v4;
	_ =	sdelay $0x1  }
0x63: {  	[tilespmem:v2+s18+$0x0 ss:$0x1] =	vst.idx.msk $0xffff, v3;
	s18 =	sshra.s32 s0, $0x2  }
0x64: {  	s0 =	sadd.s32 $0x40, s0;
	v3 =	vld [tilespmem:s18+$0x454A]  }
0x65: {  	v4 =	vld [tilespmem:s18+$0x554A];
	_ =	sdelay $0x4  }
0x66: {  	v3 =	vadd.f32 v3, v4;
	_ =	sdelay $0x1  }
0x67: {  	[tilespmem:v2+s18+$0x0 ss:$0x1] =	vst.idx.msk $0xffff, v3  }
0x68: {  	v2 =	vld [tilespmem:$0x5A84]  }
0x69: {  	v3 =	vld [tilespmem:$0x4A84];
	_ =	sdelay $0x4  }
0x6a: {  	v2 =	vadd.f32 v3, v2;
	_ =	sdelay $0x1  }
0x6b: {  	s18 =	simm.s32 $0x0;
	[tilespmem:s17+$0xBA80] =	vst v2  }
0x6c: {  	s0 =	sadd.s32 $0xE500, s15;
	v2 =	vmov s16;
	s16 =	simm.s32 $0x40;
	v3 =	vld [tilespmem:s18+$0x4A94]  }
.LBB2_7:
0x6d: {  	p1 =	sne.s32 s16, $0x14C0;
	v4 =	vld [tilespmem:s18+$0x5A94];
	_ =	sdelay $0x3  }
.Ltmp2:
0x6e: {  	(pc) =	sbr.rel @p1 .LBB2_7-.Ltmp2, $3  }
0x6f: {  	v3 =	vadd.f32 v3, v4;
	_ =	sdelay $0x1  }
0x70: {  	[tilespmem:v2+s18+$0x0 ss:$0x1] =	vst.idx.msk $0xffff, v3;
	s18 =	sshra.s32 s16, $0x2  }
0x71: {  	s16 =	sadd.s32 $0x40, s16;
	v3 =	vld [tilespmem:s18+$0x4A94]  }
0x72: {  	v4 =	vld [tilespmem:s18+$0x5A94];
	_ =	sdelay $0x4  }
0x73: {  	v3 =	vadd.f32 v3, v4;
	_ =	sdelay $0x1  }
0x74: {  	[tilespmem:v2+s18+$0x0 ss:$0x1] =	vst.idx.msk $0xffff, v3  }
0x75: {  	v2 =	vld [tilespmem:$0x5FCE]  }
0x76: {  	v3 =	vld [tilespmem:$0x4FCE];
	_ =	sdelay $0x4  }
0x77: {  	p1 =	seq.s32 s30, $0x1F;
	v2 =	vadd.f32 v3, v2  }
0x78: {  	s16 =	sshll.u32 @!p1 s30, $0x9  }
0x79: {  	s16 =	sand.u32 @!p1 $0x3FFFFE00, s16;
	[tilespmem:s17+$0xE500] =	vst v2  }
0x7a: {  	v2 =	vld.msk @!p1 [tilespmem:s16+$0x200], $0x1;
	_ =	sdelay $0x4  }
0x7b: {  	v3 =	vshrl.u32 @!p1 v2, $0x3  }
0x7c: {  	v3 =	vmul.u32 @!p1 $0x4D8, v3  }
0x7d: {  	v2 =	vand.u32 @!p1 $0x7, v2  }
0x7e: {  	v4 =	vlaneseq.u32 @!p1;
	v2 =	vor.u32 @!p1 v2, v3;
	v3 =	vimm.s32 @!p1 $0x0  }
0x7f: {  	v2 =	vperm.xlane @!p1 v2, v3;
	v3 =	vmul.u32 @!p1 $0x8, v4;
	_ =	sdelay $0x1  }
0x80: {  	v2 =	vadd.s32 @!p1 v3, v2;
	_ =	sdelay $0x3  }
0x81: {  	vm1 =	vmmov @!p1 $0xffff;
	s18 =	simm.s32 @!p1 $0x5000;
	s17 =	simm.s32 @!p1 $0x0  }
0x82: {  	[tilespmem:s18], [sflag:$0x1] =	stream.indirect_vreg.gather @!p1 [hbm4b:s2+s17], $0x80, v2, vm1, $0xb8;
	[tilespmem:$0x10F80] =	vst v63  }
0x83: {  	s18 =	simm.s32 @!p1 $0x5800  }
0x84: {  	[tilespmem:s18], [sflag:$0x1] =	stream.indirect_vreg.gather @!p1 [hbm4b:s10+s17], $0x80, v2, vm1, $0xb8;
	[tilespmem:$0x10F80] =	vst v63  }
0x85: {  	_ =	swait.ge [sflag:s23], $0x1000  }
0x86: {  	[sflag:s23] =	ssyncset.done $0x0  }
0x87: {  	s26 =	simm.s32 $0x0;
	[sflag:s23] =	ssyncadd.s32 $0xFFFFF000  }
0x88: {  	s18 =	sshll.u32 s30, $0x2;
	s17 =	sadd.s32 $0x9000, s15;
	v2 =	vmov s12;
	s12 =	simm.s32 $0x40;
	v3 =	vld [tilespmem:s26+$0x4000]  }
.LBB2_9:
0x89: {  	p2 =	sne.s32 s12, $0x14C0;
	v4 =	vld [tilespmem:s26+$0x6000];
	_ =	sdelay $0x3  }
.Ltmp3:
0x8a: {  	(pc) =	sbr.rel @p2 .LBB2_9-.Ltmp3, $3  }
0x8b: {  	v3 =	vadd.f32 v3, v4;
	_ =	sdelay $0x1  }
0x8c: {  	[tilespmem:v2+s26+$0x0 ss:$0x1] =	vst.idx.msk $0xffff, v3;
	s26 =	sshra.s32 s12, $0x2  }
0x8d: {  	s12 =	sadd.s32 $0x40, s12;
	v3 =	vld [tilespmem:s26+$0x4000]  }
0x8e: {  	v4 =	vld [tilespmem:s26+$0x6000];
	_ =	sdelay $0x4  }
0x8f: {  	v3 =	vadd.f32 v3, v4;
	_ =	sdelay $0x1  }
0x90: {  	[tilespmem:v2+s26+$0x0 ss:$0x1] =	vst.idx.msk $0xffff, v3  }
0x91: {  	v2 =	vld [tilespmem:$0x653A]  }
0x92: {  	v3 =	vld [tilespmem:$0x453A];
	_ =	sdelay $0x4  }
0x93: {  	v2 =	vadd.f32 v3, v2;
	_ =	sdelay $0x1  }
0x94: {  	s26 =	simm.s32 $0x0;
	[tilespmem:s15+$0x9A84] =	vst v2  }
0x95: {  	s12 =	sadd.s32 $0xA84, s15;
	v2 =	vmov s11;
	s11 =	simm.s32 $0x40;
	v3 =	vld [tilespmem:s26+$0x454A]  }
.LBB2_11:
0x96: {  	p2 =	sne.s32 s11, $0x14C0;
	v4 =	vld [tilespmem:s26+$0x654A];
	_ =	sdelay $0x3  }
.Ltmp4:
0x97: {  	(pc) =	sbr.rel @p2 .LBB2_11-.Ltmp4, $3  }
0x98: {  	v3 =	vadd.f32 v3, v4;
	_ =	sdelay $0x1  }
0x99: {  	[tilespmem:v2+s26+$0x0 ss:$0x1] =	vst.idx.msk $0xffff, v3;
	s26 =	sshra.s32 s11, $0x2  }
0x9a: {  	s11 =	sadd.s32 $0x40, s11;
	v3 =	vld [tilespmem:s26+$0x454A]  }
0x9b: {  	v4 =	vld [tilespmem:s26+$0x654A];
	_ =	sdelay $0x4  }
0x9c: {  	v3 =	vadd.f32 v3, v4;
	_ =	sdelay $0x1  }
0x9d: {  	[tilespmem:v2+s26+$0x0 ss:$0x1] =	vst.idx.msk $0xffff, v3  }
0x9e: {  	v2 =	vld [tilespmem:$0x6A84]  }
0x9f: {  	v3 =	vld [tilespmem:$0x4A84];
	_ =	sdelay $0x4  }
0xa0: {  	v2 =	vadd.f32 v3, v2;
	_ =	sdelay $0x1  }
0xa1: {  	s11 =	simm.s32 $0x0;
	[tilespmem:s12+$0xBA80] =	vst v2  }
0xa2: {  	v2 =	vmov s9;
	s9 =	simm.s32 $0x40;
	v3 =	vld [tilespmem:s11+$0x4A94]  }
.LBB2_13:
0xa3: {  	p2 =	sne.s32 s9, $0x14C0;
	v4 =	vld [tilespmem:s11+$0x6A94];
	_ =	sdelay $0x3  }
.Ltmp5:
0xa4: {  	(pc) =	sbr.rel @p2 .LBB2_13-.Ltmp5, $3  }
0xa5: {  	v3 =	vadd.f32 v3, v4;
	_ =	sdelay $0x1  }
0xa6: {  	[tilespmem:v2+s11+$0x0 ss:$0x1] =	vst.idx.msk $0xffff, v3;
	s11 =	sshra.s32 s9, $0x2  }
0xa7: {  	s9 =	sadd.s32 $0x40, s9;
	v3 =	vld [tilespmem:s11+$0x4A94]  }
0xa8: {  	v4 =	vld [tilespmem:s11+$0x6A94];
	_ =	sdelay $0x4  }
0xa9: {  	v3 =	vadd.f32 v3, v4;
	_ =	sdelay $0x1  }
0xaa: {  	[tilespmem:v2+s11+$0x0 ss:$0x1] =	vst.idx.msk $0xffff, v3  }
0xab: {  	v2 =	vld [tilespmem:$0x6FCE]  }
0xac: {  	v3 =	vld [tilespmem:$0x4FCE];
	_ =	sdelay $0x4  }
0xad: {  	v2 =	vadd.f32 v3, v2;
	_ =	sdelay $0x1  }
0xae: {  	[tilespmem:s12+$0xE500] =	vst v2  }
0xaf: {  	v2 =	vld.msk @!p1 [tilespmem:s16+$0x280], $0x1;
	_ =	sdelay $0x4  }
0xb0: {  	v3 =	vshrl.u32 @!p1 v2, $0x3  }
0xb1: {  	v3 =	vmul.u32 @!p1 $0x4D8, v3  }
0xb2: {  	v2 =	vand.u32 @!p1 $0x7, v2  }
0xb3: {  	v4 =	vlaneseq.u32 @!p1;
	v2 =	vor.u32 @!p1 v2, v3;
	v3 =	vimm.s32 @!p1 $0x0  }
0xb4: {  	v2 =	vperm.xlane @!p1 v2, v3;
	v3 =	vmul.u32 @!p1 $0x8, v4;
	_ =	sdelay $0x1  }
0xb5: {  	v2 =	vadd.s32 @!p1 v3, v2;
	_ =	sdelay $0x3  }
0xb6: {  	s9 =	simm.s32 @!p1 $0x0;
	s11 =	simm.s32 @!p1 $0x6000  }
0xb7: {  	[tilespmem:s11], [sflag:$0x2] =	stream.indirect_vreg.gather @!p1 [hbm4b:s2+s9], $0x80, v2, vm1, $0xb8;
	[tilespmem:$0x10F80] =	vst v63  }
0xb8: {  	s11 =	simm.s32 @!p1 $0x6800  }
0xb9: {  	[tilespmem:s11], [sflag:$0x2] =	stream.indirect_vreg.gather @!p1 [hbm4b:s10+s9], $0x80, v2, vm1, $0xb8;
	[tilespmem:$0x10F80] =	vst v63  }
0xba: {  	_ =	swait.ge [sflag:s24], $0x1000  }
0xbb: {  	[sflag:s24] =	ssyncset.done $0x0  }
0xbc: {  	s9 =	simm.s32 $0x0;
	[sflag:s24] =	ssyncadd.s32 $0xFFFFF000  }
0xbd: {  	v2 =	vmov s21;
	s11 =	simm.s32 $0x40;
	v3 =	vld [tilespmem:s9+$0x4000]  }
.LBB2_15:
0xbe: {  	p2 =	sne.s32 s11, $0x14C0;
	v4 =	vld [tilespmem:s9+$0x7000];
	_ =	sdelay $0x3  }
.Ltmp6:
0xbf: {  	(pc) =	sbr.rel @p2 .LBB2_15-.Ltmp6, $3  }
0xc0: {  	v3 =	vadd.f32 v3, v4;
	_ =	sdelay $0x1  }
0xc1: {  	[tilespmem:v2+s9+$0x0 ss:$0x1] =	vst.idx.msk $0xffff, v3;
	s9 =	sshra.s32 s11, $0x2  }
0xc2: {  	s11 =	sadd.s32 $0x40, s11;
	v3 =	vld [tilespmem:s9+$0x4000]  }
0xc3: {  	v4 =	vld [tilespmem:s9+$0x7000];
	_ =	sdelay $0x4  }
0xc4: {  	v3 =	vadd.f32 v3, v4;
	_ =	sdelay $0x1  }
0xc5: {  	[tilespmem:v2+s9+$0x0 ss:$0x1] =	vst.idx.msk $0xffff, v3  }
0xc6: {  	v2 =	vld [tilespmem:$0x753A]  }
0xc7: {  	v3 =	vld [tilespmem:$0x453A];
	_ =	sdelay $0x4  }
0xc8: {  	v2 =	vadd.f32 v3, v2;
	_ =	sdelay $0x1  }
0xc9: {  	s11 =	simm.s32 $0x0;
	[tilespmem:s15+$0x9FCE] =	vst v2  }
0xca: {  	s12 =	simm.s32 $0x40;
	s9 =	sadd.s32 $0xFCE, s15;
	v2 =	vmov s20;
	v3 =	vld [tilespmem:s11+$0x454A]  }
.LBB2_17:
0xcb: {  	p2 =	sne.s32 s12, $0x14C0;
	v4 =	vld [tilespmem:s11+$0x754A];
	_ =	sdelay $0x3  }
.Ltmp7:
0xcc: {  	(pc) =	sbr.rel @p2 .LBB2_17-.Ltmp7, $3  }
0xcd: {  	v3 =	vadd.f32 v3, v4;
	_ =	sdelay $0x1  }
0xce: {  	[tilespmem:v2+s11+$0x0 ss:$0x1] =	vst.idx.msk $0xffff, v3;
	s11 =	sshra.s32 s12, $0x2  }
0xcf: {  	s12 =	sadd.s32 $0x40, s12;
	v3 =	vld [tilespmem:s11+$0x454A]  }
0xd0: {  	v4 =	vld [tilespmem:s11+$0x754A];
	_ =	sdelay $0x4  }
0xd1: {  	v3 =	vadd.f32 v3, v4;
	_ =	sdelay $0x1  }
0xd2: {  	[tilespmem:v2+s11+$0x0 ss:$0x1] =	vst.idx.msk $0xffff, v3  }
0xd3: {  	v2 =	vld [tilespmem:$0x7A84]  }
0xd4: {  	v3 =	vld [tilespmem:$0x4A84];
	_ =	sdelay $0x4  }
0xd5: {  	v2 =	vadd.f32 v3, v2;
	_ =	sdelay $0x1  }
0xd6: {  	s11 =	simm.s32 $0x0;
	[tilespmem:s9+$0xBA80] =	vst v2  }
0xd7: {  	s12 =	simm.s32 $0x40;
	v2 =	vmov s19;
	v3 =	vld [tilespmem:s11+$0x4A94]  }
.LBB2_19:
0xd8: {  	p2 =	sne.s32 s12, $0x14C0;
	v4 =	vld [tilespmem:s11+$0x7A94];
	_ =	sdelay $0x3  }
.Ltmp8:
0xd9: {  	(pc) =	sbr.rel @p2 .LBB2_19-.Ltmp8, $3  }
0xda: {  	v3 =	vadd.f32 v3, v4;
	_ =	sdelay $0x1  }
0xdb: {  	[tilespmem:v2+s11+$0x0 ss:$0x1] =	vst.idx.msk $0xffff, v3;
	s11 =	sshra.s32 s12, $0x2  }
0xdc: {  	s12 =	sadd.s32 $0x40, s12;
	v3 =	vld [tilespmem:s11+$0x4A94]  }
0xdd: {  	v4 =	vld [tilespmem:s11+$0x7A94];
	_ =	sdelay $0x4  }
0xde: {  	v3 =	vadd.f32 v3, v4;
	_ =	sdelay $0x1  }
0xdf: {  	[tilespmem:v2+s11+$0x0 ss:$0x1] =	vst.idx.msk $0xffff, v3  }
0xe0: {  	v2 =	vld [tilespmem:$0x7FCE]  }
0xe1: {  	v3 =	vld [tilespmem:$0x4FCE];
	_ =	sdelay $0x4  }
0xe2: {  	v2 =	vadd.f32 v3, v2;
	_ =	sdelay $0x1  }
0xe3: {  	[tilespmem:s9+$0xE500] =	vst v2  }
0xe4: {  	v2 =	vld.msk @!p1 [tilespmem:s16+$0x300], $0x1;
	_ =	sdelay $0x4  }
0xe5: {  	v3 =	vshrl.u32 @!p1 v2, $0x3  }
0xe6: {  	v3 =	vmul.u32 @!p1 $0x4D8, v3  }
0xe7: {  	v2 =	vand.u32 @!p1 $0x7, v2  }
0xe8: {  	v4 =	vlaneseq.u32 @!p1;
	v2 =	vor.u32 @!p1 v2, v3;
	v3 =	vimm.s32 @!p1 $0x0  }
0xe9: {  	v2 =	vperm.xlane @!p1 v2, v3;
	v3 =	vmul.u32 @!p1 $0x8, v4;
	_ =	sdelay $0x1  }
0xea: {  	v2 =	vadd.s32 @!p1 v3, v2;
	_ =	sdelay $0x3  }
0xeb: {  	s11 =	simm.s32 @!p1 $0x7000;
	s9 =	simm.s32 @!p1 $0x0  }
0xec: {  	[tilespmem:s11], [sflag:$0x3] =	stream.indirect_vreg.gather @!p1 [hbm4b:s2+s9], $0x80, v2, vm1, $0xb8;
	[tilespmem:$0x10F80] =	vst v63  }
0xed: {  	s11 =	simm.s32 @!p1 $0x7800  }
0xee: {  	[tilespmem:s11], [sflag:$0x3] =	stream.indirect_vreg.gather @!p1 [hbm4b:s10+s9], $0x80, v2, vm1, $0xb8;
	[tilespmem:$0x10F80] =	vst v63  }
0xef: {  	_ =	swait.ge [sflag:s25], $0x1000  }
0xf0: {  	[sflag:s25] =	ssyncset.done $0x0  }
0xf1: {  	s9 =	simm.s32 $0x0;
	[sflag:s25] =	ssyncadd.s32 $0xFFFFF000  }
0xf2: {  	v2 =	vmov s14;
	s11 =	simm.s32 $0x40;
	v3 =	vld [tilespmem:s9+$0x4000]  }
.LBB2_21:
0xf3: {  	p2 =	sne.s32 s11, $0x14C0;
	v4 =	vld [tilespmem:s9+$0x8000];
	_ =	sdelay $0x3  }
.Ltmp9:
0xf4: {  	(pc) =	sbr.rel @p2 .LBB2_21-.Ltmp9, $3  }
0xf5: {  	v3 =	vadd.f32 v3, v4;
	_ =	sdelay $0x1  }
0xf6: {  	[tilespmem:v2+s9+$0x0 ss:$0x1] =	vst.idx.msk $0xffff, v3;
	s9 =	sshra.s32 s11, $0x2  }
0xf7: {  	s11 =	sadd.s32 $0x40, s11;
	v3 =	vld [tilespmem:s9+$0x4000]  }
0xf8: {  	v4 =	vld [tilespmem:s9+$0x8000];
	_ =	sdelay $0x4  }
0xf9: {  	v3 =	vadd.f32 v3, v4;
	_ =	sdelay $0x1  }
0xfa: {  	[tilespmem:v2+s9+$0x0 ss:$0x1] =	vst.idx.msk $0xffff, v3  }
0xfb: {  	v2 =	vld [tilespmem:$0x853A]  }
0xfc: {  	v3 =	vld [tilespmem:$0x453A];
	_ =	sdelay $0x4  }
0xfd: {  	v2 =	vadd.f32 v3, v2;
	_ =	sdelay $0x1  }
0xfe: {  	s11 =	simm.s32 $0x0;
	[tilespmem:s15+$0xA518] =	vst v2  }
0xff: {  	s12 =	simm.s32 $0x40;
	s9 =	sadd.s32 $0x1518, s15;
	v2 =	vmov s13;
	v3 =	vld [tilespmem:s11+$0x454A]  }
.LBB2_23:
0x100: {  	p2 =	sne.s32 s12, $0x14C0;
	v4 =	vld [tilespmem:s11+$0x854A];
	_ =	sdelay $0x3  }
.Ltmp10:
0x101: {  	(pc) =	sbr.rel @p2 .LBB2_23-.Ltmp10, $3  }
0x102: {  	v3 =	vadd.f32 v3, v4;
	_ =	sdelay $0x1  }
0x103: {  	[tilespmem:v2+s11+$0x0 ss:$0x1] =	vst.idx.msk $0xffff, v3;
	s11 =	sshra.s32 s12, $0x2  }
0x104: {  	s12 =	sadd.s32 $0x40, s12;
	v3 =	vld [tilespmem:s11+$0x454A]  }
0x105: {  	v4 =	vld [tilespmem:s11+$0x854A];
	_ =	sdelay $0x4  }
0x106: {  	v3 =	vadd.f32 v3, v4;
	_ =	sdelay $0x1  }
0x107: {  	[tilespmem:v2+s11+$0x0 ss:$0x1] =	vst.idx.msk $0xffff, v3  }
0x108: {  	v2 =	vld [tilespmem:$0x8A84]  }
0x109: {  	v3 =	vld [tilespmem:$0x4A84];
	_ =	sdelay $0x4  }
0x10a: {  	v2 =	vadd.f32 v3, v2;
	_ =	sdelay $0x1  }
0x10b: {  	s11 =	simm.s32 $0x0;
	[tilespmem:s9+$0xBA80] =	vst v2  }
0x10c: {  	v2 =	vmov s1;
	s1 =	simm.s32 $0x40;
	v3 =	vld [tilespmem:s11+$0x4A94]  }
.LBB2_25:
0x10d: {  	p2 =	sne.s32 s1, $0x14C0;
	v4 =	vld [tilespmem:s11+$0x8A94];
	_ =	sdelay $0x3  }
.Ltmp11:
0x10e: {  	(pc) =	sbr.rel @p2 .LBB2_25-.Ltmp11, $3  }
0x10f: {  	v3 =	vadd.f32 v3, v4;
	_ =	sdelay $0x1  }
0x110: {  	[tilespmem:v2+s11+$0x0 ss:$0x1] =	vst.idx.msk $0xffff, v3;
	s11 =	sshra.s32 s1, $0x2  }
0x111: {  	s1 =	sadd.s32 $0x40, s1;
	v3 =	vld [tilespmem:s11+$0x4A94]  }
0x112: {  	v4 =	vld [tilespmem:s11+$0x8A94];
	_ =	sdelay $0x4  }
0x113: {  	v3 =	vadd.f32 v3, v4;
	_ =	sdelay $0x1  }
0x114: {  	[tilespmem:v2+s11+$0x0 ss:$0x1] =	vst.idx.msk $0xffff, v3  }
0x115: {  	v2 =	vld [tilespmem:$0x8FCE]  }
0x116: {  	v3 =	vld [tilespmem:$0x4FCE];
	_ =	sdelay $0x4  }
0x117: {  	v2 =	vadd.f32 v3, v2;
	_ =	sdelay $0x1  }
0x118: {  	[tilespmem:s9+$0xE500] =	vst v2  }
0x119: {  	v2 =	vld.msk @!p1 [tilespmem:s16+$0x380], $0x1;
	_ =	sdelay $0x4  }
0x11a: {  	v3 =	vshrl.u32 @!p1 v2, $0x3  }
0x11b: {  	v3 =	vmul.u32 @!p1 $0x4D8, v3  }
0x11c: {  	v2 =	vand.u32 @!p1 $0x7, v2  }
0x11d: {  	v4 =	vlaneseq.u32 @!p1;
	v2 =	vor.u32 @!p1 v2, v3;
	v3 =	vimm.s32 @!p1 $0x0  }
0x11e: {  	v2 =	vperm.xlane @!p1 v2, v3;
	v3 =	vmul.u32 @!p1 $0x8, v4;
	_ =	sdelay $0x1  }
0x11f: {  	v2 =	vadd.s32 @!p1 v3, v2;
	_ =	sdelay $0x3  }
0x120: {  	s1 =	simm.s32 @!p1 $0x0;
	s19 =	sadd.s32 s8, s18;
	s9 =	simm.s32 @!p1 $0x8000  }
0x121: {  	[tilespmem:s9], [sflag:$0x4] =	stream.indirect_vreg.gather @!p1 [hbm4b:s2+s1], $0x80, v2, vm1, $0xb8;
	[tilespmem:$0x10F80] =	vst v63  }
0x122: {  	s11 =	simm.s32 @!p1 $0x8800;
	s9 =	smul.u32 $0x54A, s19  }
0x123: {  	[tilespmem:s11], [sflag:$0x4] =	stream.indirect_vreg.gather @!p1 [hbm4b:s10+s1], $0x80, v2, vm1, $0xb8;
	[tilespmem:$0x10F80] =	vst v63  }
0x124: {  	s30 =	sadd.s32 $0x1, s30;
	s20 =	sshrl.u32 s9, $0x3  }
0x125: {  	s21 =	sadd.s32 $0x5, s31;
	p1 =	sne.s32 s30, $0x20;
	s26 =	sadd.s32 s4, s20  }
0x126: {  	[hbm4b:s26+s7] =	stream.linear.scatter [tilespmem:s17], [sflag:s21], $0x1528, $0x38;
	[tilespmem:$0x10F80] =	vst v63  }
.Ltmp12:
0x127: {  	_ = 	snop;
	(pc) =	sbr.rel @p1 .LBB2_2-.Ltmp12, $4  }
0x128: {  	s31 =	sadd.s32 s5, s20  }
0x129: {  	[hbm4b:s31+s7] =	stream.linear.scatter [tilespmem:s3], [sflag:s21], $0x1528, $0x38;
	[tilespmem:$0x10F80] =	vst v63  }
0x12a: {  	p0 =	por !p0, !p0;
	s1 =	sadd.s32 s6, s20  }
0x12b: {  	[hbm4b:s1+s7] =	stream.linear.scatter [tilespmem:s0], [sflag:s21], $0x1528, $0x38;
	[tilespmem:$0x10F80] =	vst v63  }
0x12c: {  	s0 =	simm.s32 $0x5  }
0x12d: {  	_ =	swait.ge [sflag:s0], $0x1528  }
0x12e: {  	[sflag:s0] =	ssyncset.done $0x0  }
0x12f: {  	[sflag:s0] =	ssyncadd.s32 $0xFFFFEAD8  }
0x130: {  	_ =	swait.ge [sflag:s0], $0x1528  }
0x131: {  	[sflag:s0] =	ssyncset.done $0x0  }
0x132: {  	[sflag:s0] =	ssyncadd.s32 $0xFFFFEAD8  }
0x133: {  	_ =	swait.ge [sflag:s0], $0x1528  }
0x134: {  	[sflag:s0] =	ssyncset.done $0x0  }
0x135: {  	[sflag:s0] =	ssyncadd.s32 $0xFFFFEAD8  }
0x136: {  	_ =	swait.ge [sflag:s28], $0x1528  }
0x137: {  	[sflag:s28] =	ssyncset.done $0x0  }
0x138: {  	[sflag:s28] =	ssyncadd.s32 $0xFFFFEAD8  }
0x139: {  	_ =	swait.ge [sflag:s28], $0x1528  }
0x13a: {  	[sflag:s28] =	ssyncset.done $0x0  }
0x13b: {  	[sflag:s28] =	ssyncadd.s32 $0xFFFFEAD8  }
0x13c: {  	_ =	swait.ge [sflag:s28], $0x1528  }
0x13d: {  	s29 =	sadd.s32 $0x1, s29;
	s31 =	rddreg [dreg:$0x8]  }
0x13e: {  	p0 =	sne.s32 s29, s31  }
.Ltmp13:
0x13f: {  	_ = 	snop;
	(pc) =	sbr.rel @p0 .LBB2_1-.Ltmp13, $3  }
0x140: {  	_ =	sdelay $0x1  }
0x141: {  	[sflag:s28] =	ssyncset.done $0x0  }
0x142: {  	[sflag:s28] =	ssyncadd.s32 $0xFFFFEAD8  }
0x143: {  	_ =	sfence.sel $0x180000  }
0x144: {  	[bflag:$0x0] =	sbarrier.arrive $0xFFFF  }
0x145: {  	_ =	strace $0x90000047  }
0x146: {  	s0 =	stileid.u32;
	[bflag:$0x2] =	sbarrier.arrive $0xFFFF  }
0x147: {  	p0 =	sne.s32 s0, $0x0;
	s0 =	rddreg [dreg:$0x6]  }
0x148: {  	s0 =	sadd.s32 @!p0 $0x100000, s0  }
0x149: {  	[sflag:s0] =	ssyncadd.tile.s32 @!p0 $0x1;
	_ =	shalt  }
.Lfunc_end2:
_tile_overlayer_lowered:
.L_overlay_start_2:
0x14a: {  	(tag) =	ssettag $0x2  }
0x14b: {  	s0 =	rddreg [dreg:$0x0];
	s2 =	stileid.u32  }
0x14c: {  	s1 =	rddreg [dreg:$0x1];
	p0 =	sne.s32 s2, $0x0  }
0x14d: {  	s3 =	rddreg [dreg:$0x2];
	[bflag:$0x3] =	sbarrier.arrive $0xFFFF;
	s2 =	simm.s32 @!p0 $0x1C07  }
0x14e: {  	[timem:s3], [sflag:s2] =	dma.local @!p0 [hbm:s0], s1  }
0x14f: {  	s0 =	simm.s32 @!p0 $0x7  }
0x150: {  	_ =	swait.ge @!p0 [sflag:s0], s1  }
0x151: {  	s1 =	ssub.s32 @!p0 $0x0, s1;
	[sflag:s0] =	ssyncset.done @!p0 $0x0  }
0x152: {  	[sflag:s0] =	ssyncadd.s32 @!p0 s1  }
0x153: {  	[bflag:$0x3] =	sbarrier.arrive $0xFFFF  }
0x154: {  	_ =	shalt  }

</sc_bundles>
